<compile_context>
chip_gen: v7x
topology: tpu7x:2x2x1
jax: 0.10.2.dev20260603
libtpu: 0.0.44.dev20260713+nightly
codegen_flags: <defaults>
</compile_context>

<pallas_src>
import jax
import jax.numpy as jnp
from jax import lax
from jax.experimental import pallas as pl
from jax.experimental.pallas import tpu as pltpu
from jax.experimental.pallas import tpu_sc as plsc

N = 320000
F = 128
G = 256

_INFO = plsc.get_sparse_core_info()
NC = _INFO.num_cores
NS = _INFO.num_subcores
NW = NC * NS
CHUNK = 128
TOTCHUNK = N // CHUNK
NCHUNK = TOTCHUNK // NW
EXTRA = TOTCHUNK - NCHUNK * NW
ROWS_PER_W = NCHUNK * CHUNK
ROWS_PER_TILE_OUT = G // NS
NBUF = 4
DEPTH = 3


def _sc_partial_kernel(x_hbm, b_hbm, out_hbm, xb0, xb1, xb2, xb3, ibuf, obuf,
                       acc0, acc1, sg0, sg1, sg2, sg3, ss0, ss1, ss2, ss3):
    c = lax.axis_index("c")
    s = lax.axis_index("s")
    wid = s * NC + c
    base = wid * ROWS_PER_W
    xbufs = (xb0, xb1, xb2, xb3)
    gsems = (sg0, sg1, sg2, sg3)
    ssems = (ss0, ss1, ss2, ss3)
    accs = (acc0, acc1)

    for r in range(ROWS_PER_TILE_OUT):
        for j in range(F // 16):
            obuf[r, pl.ds(j * 16, 16)] = jnp.zeros((16,), jnp.float32)
    row0 = s * ROWS_PER_TILE_OUT
    pltpu.sync_copy(obuf, acc0.at[pl.ds(row0, ROWS_PER_TILE_OUT)])
    pltpu.sync_copy(obuf, acc1.at[pl.ds(row0, ROWS_PER_TILE_OUT)])
    pltpu.sync_copy(b_hbm.at[wid], ibuf)
    plsc.subcore_barrier()

    def gather_start(chunk_idx, b):
        pltpu.async_copy(
            x_hbm.at[pl.ds(base + chunk_idx * CHUNK, CHUNK)], xbufs[b], gsems[b])

    def gather_wait(chunk_idx, b):
        pltpu.make_async_copy(
            x_hbm.at[pl.ds(base + chunk_idx * CHUNK, CHUNK)], xbufs[b],
            gsems[b]).wait()

    def scatter_start(chunk_idx, b, p):
        pltpu.async_copy(xbufs[b], accs[p].at[ibuf.at[chunk_idx]], ssems[b],
                         add=True)

    def scatter_wait(chunk_idx, b, p):
        pltpu.make_async_copy(xbufs[b], accs[p].at[ibuf.at[chunk_idx]],
                              ssems[b]).wait()

    for cc in range(DEPTH):
        gather_start(cc, cc)
    for cc in range(NBUF):
        gather_wait(cc, cc)
        scatter_start(cc, cc, cc % 2)
        if cc >= 1:
            scatter_wait(cc - 1, cc - 1, (cc - 1) % 2)
        gather_start(cc + DEPTH, (cc + DEPTH) % NBUF)

    def body(i, carry):
        c0 = NBUF * i
        for b in range(NBUF):
            cc = c0 + b
            gather_wait(cc, b)
            scatter_start(cc, b, b % 2)
            scatter_wait(cc - 1, (b + 3) % NBUF, (b + 1) % 2)

            @pl.when(cc + DEPTH < NCHUNK)
            def _():
                gather_start(cc + DEPTH, (b + DEPTH) % NBUF)
        return carry

    lax.fori_loop(1, (NCHUNK - 2) // NBUF, body, 0)
    gather_wait(NCHUNK - 2, (NCHUNK - 2) % NBUF)
    scatter_start(NCHUNK - 2, (NCHUNK - 2) % NBUF, (NCHUNK - 2) % 2)
    scatter_wait(NCHUNK - 3, (NCHUNK - 3) % NBUF, (NCHUNK - 3) % 2)
    gather_wait(NCHUNK - 1, (NCHUNK - 1) % NBUF)
    scatter_start(NCHUNK - 1, (NCHUNK - 1) % NBUF, (NCHUNK - 1) % 2)
    scatter_wait(NCHUNK - 2, (NCHUNK - 2) % NBUF, (NCHUNK - 2) % 2)
    scatter_wait(NCHUNK - 1, (NCHUNK - 1) % NBUF, (NCHUNK - 1) % 2)

    @pl.when(wid < EXTRA)
    def _():
        start = NW * ROWS_PER_W + wid * CHUNK
        pltpu.sync_copy(x_hbm.at[pl.ds(start, CHUNK)], xbufs[0])
        pltpu.sync_copy(xbufs[0], acc0.at[ibuf.at[NCHUNK]], add=True)

    plsc.subcore_barrier()

    pltpu.sync_copy(acc0.at[pl.ds(row0, ROWS_PER_TILE_OUT)], obuf)
    pltpu.sync_copy(obuf, out_hbm.at[c, 0, pl.ds(row0, ROWS_PER_TILE_OUT)])
    pltpu.sync_copy(acc1.at[pl.ds(row0, ROWS_PER_TILE_OUT)], obuf)
    pltpu.sync_copy(obuf, out_hbm.at[c, 1, pl.ds(row0, ROWS_PER_TILE_OUT)])


@jax.jit
def _sc_partials(x, batch_blocked):
    mesh = plsc.VectorSubcoreMesh(core_axis_name="c", subcore_axis_name="s")
    return pl.kernel(
        _sc_partial_kernel,
        mesh=mesh,
        out_type=jax.ShapeDtypeStruct((NC, 2, G, F), jnp.float32),
        scratch_types=[
            pltpu.VMEM((CHUNK, F), jnp.float32),
            pltpu.VMEM((CHUNK, F), jnp.float32),
            pltpu.VMEM((CHUNK, F), jnp.float32),
            pltpu.VMEM((CHUNK, F), jnp.float32),
            pltpu.VMEM((NCHUNK + 1, CHUNK), jnp.int32),
            pltpu.VMEM((ROWS_PER_TILE_OUT, F), jnp.float32),
            pltpu.VMEM_SHARED((G, F), jnp.float32),
            pltpu.VMEM_SHARED((G, F), jnp.float32),
            pltpu.SemaphoreType.DMA,
            pltpu.SemaphoreType.DMA,
            pltpu.SemaphoreType.DMA,
            pltpu.SemaphoreType.DMA,
            pltpu.SemaphoreType.DMA,
            pltpu.SemaphoreType.DMA,
            pltpu.SemaphoreType.DMA,
            pltpu.SemaphoreType.DMA,
        ],
    )(x, batch_blocked)


def _combine_kernel(p_ref, o_ref):
    o_ref[...] = (p_ref[0, 0] + p_ref[0, 1]) + (p_ref[1, 0] + p_ref[1, 1])


@jax.jit
def _combine(partials):
    return pl.pallas_call(
        _combine_kernel,
        out_shape=jax.ShapeDtypeStruct((G, F), jnp.float32),
    )(partials)


def kernel(x, batch):
    b = batch.astype(jnp.int32).reshape(TOTCHUNK, CHUNK)
    slabs = b[:NW * NCHUNK].reshape(NW, NCHUNK, CHUNK)
    extras = jnp.concatenate(
        [b[NW * NCHUNK:], jnp.zeros((NW - EXTRA, CHUNK), jnp.int32)]
    ).reshape(NW, 1, CHUNK)
    batch_blocked = jnp.concatenate([slabs, extras], axis=1)
    partials = _sc_partials(x, batch_blocked)
    return _combine(partials)

# --- scband reference (transcript-rebuilt; emitter-appended) ---
"""Pipeline reference for scband-global-pool-from-aggregation-33621003993794 (READ-ONLY COPY).

The authoritative reference and input builder live on the scoring server;
editing this copy changes nothing except your own understanding.
"""

import jax, jax.numpy as jnp
import numpy as np

N = 320000
F = 128
NUM_GRAPHS = 256


def setup_inputs(seed: int = 0) -> dict:
    key = jax.random.key(seed)
    kx, kb = jax.random.split(key)
    x = jax.random.normal(kx, (N, F), dtype=jnp.float32)
    batch = jnp.sort(jax.random.randint(kb, (N,), 0, NUM_GRAPHS, dtype=jnp.int64))
    return {"x": x, "batch": batch}


def reference(x, batch):
    # GlobalPoolFromAggregation with a sum aggregation:
    # out[g] = sum over nodes i with batch[i] == g of x[i]
    return jax.ops.segment_sum(x, batch, num_segments=NUM_GRAPHS)

if __name__ == "__main__":
    import jax
    _d = setup_inputs()
    print(jax.jit(kernel)(*tuple(_d.values())))

</pallas_src>

<mosaic_0001>
#map = affine_map<(d0, d1) -> (0, 0)>
#map1 = affine_map<(d0, d1) -> (0, 0, 0)>
#map2 = affine_map<(d0, d1) -> (0, 0, 0, 0)>
module attributes {stable_mosaic.version = 14 : i64} {
  func.func @_sc_partial_kernel(%arg0: i32, %arg1: i32, %arg2: memref<320000x128xf32, #tpu.memory_space<hbm>>, %arg3: memref<32x79x128xi32, #tpu.memory_space<hbm>>, %arg4: memref<2x2x256x128xf32, #tpu.memory_space<hbm>>, %arg5: memref<128x128xf32, #tpu.memory_space<vmem>>, %arg6: memref<128x128xf32, #tpu.memory_space<vmem>>, %arg7: memref<128x128xf32, #tpu.memory_space<vmem>>, %arg8: memref<128x128xf32, #tpu.memory_space<vmem>>, %arg9: memref<79x128xi32, #tpu.memory_space<vmem>>, %arg10: memref<16x128xf32, #tpu.memory_space<vmem>>, %arg11: memref<256x128xf32, #tpu.memory_space<vmem_shared>>, %arg12: memref<256x128xf32, #tpu.memory_space<vmem_shared>>, %arg13: memref<!tpu.dma_semaphore, #tpu.memory_space<semaphore_mem>>, %arg14: memref<!tpu.dma_semaphore, #tpu.memory_space<semaphore_mem>>, %arg15: memref<!tpu.dma_semaphore, #tpu.memory_space<semaphore_mem>>, %arg16: memref<!tpu.dma_semaphore, #tpu.memory_space<semaphore_mem>>, %arg17: memref<!tpu.dma_semaphore, #tpu.memory_space<semaphore_mem>>, %arg18: memref<!tpu.dma_semaphore, #tpu.memory_space<semaphore_mem>>, %arg19: memref<!tpu.dma_semaphore, #tpu.memory_space<semaphore_mem>>, %arg20: memref<!tpu.dma_semaphore, #tpu.memory_space<semaphore_mem>>) attributes {dimension_semantics = [#tpu.dimension_semantics<core_parallel>, #tpu.dimension_semantics<subcore_parallel>], iteration_bounds = array<i64: 2, 16>, scalar_prefetch = 0 : i64, scratch_operands = 16 : i64, tpu.core_type = #tpu.core_type<sc_vector_subcore>, window_params = [{transform_indices = #map}, {transform_indices = #map1}, {transform_indices = #map2}]} {
    %mul3A = arith.constant 2 : i32
    %mul3A_0 = arith.muli %arg1, %mul3A : i32
    %add3A = arith.addi %mul3A_0, %arg0 : i32
    %mul3A_1 = arith.constant 9984 : i32
    %mul3A_2 = arith.muli %add3A, %mul3A_1 : i32
    %broadcast_in_dim3A = arith.constant 0.000000e+00 : f32
    %broadcast_in_dim3A_3 = vector.broadcast %broadcast_in_dim3A : f32 to vector<16xf32>
    %swap3A = arith.constant 0 : i32
    %swap3A_4 = arith.index_cast %swap3A : i32 to index
    %swap3A_5 = arith.constant 0 : index
    %swap3A_6 = tpu.vector_load %arg10[%swap3A_4, %swap3A_5] {strides = array<i32>} : memref<16x128xf32, #tpu.memory_space<vmem>>, vector<1x16xf32>,
    %swap3A_7 = vector.shape_cast %swap3A_6 : vector<1x16xf32> to vector<16xf32>
    %swap3A_8 = vector.shape_cast %broadcast_in_dim3A_3 : vector<16xf32> to vector<1x16xf32>
    tpu.vector_store %arg10[%swap3A_4, %swap3A_5], %swap3A_8 {strides = array<i32>} : memref<16x128xf32, #tpu.memory_space<vmem>>, vector<1x16xf32>,
    %broadcast_in_dim3A_9 = arith.constant 0.000000e+00 : f32
    %broadcast_in_dim3A_10 = vector.broadcast %broadcast_in_dim3A_9 : f32 to vector<16xf32>
    %swap3A_11 = arith.constant 0 : i32
    %swap3A_12 = arith.index_cast %swap3A_11 : i32 to index
    %swap3A_13 = arith.constant 16 : index
    %swap3A_14 = tpu.vector_load %arg10[%swap3A_12, %swap3A_13] {strides = array<i32>} : memref<16x128xf32, #tpu.memory_space<vmem>>, vector<1x16xf32>,
    %swap3A_15 = vector.shape_cast %swap3A_14 : vector<1x16xf32> to vector<16xf32>
    %swap3A_16 = vector.shape_cast %broadcast_in_dim3A_10 : vector<16xf32> to vector<1x16xf32>
    tpu.vector_store %arg10[%swap3A_12, %swap3A_13], %swap3A_16 {strides = array<i32>} : memref<16x128xf32, #tpu.memory_space<vmem>>, vector<1x16xf32>,
    %broadcast_in_dim3A_17 = arith.constant 0.000000e+00 : f32
    %broadcast_in_dim3A_18 = vector.broadcast %broadcast_in_dim3A_17 : f32 to vector<16xf32>
    %swap3A_19 = arith.constant 0 : i32
    %swap3A_20 = arith.index_cast %swap3A_19 : i32 to index
    %swap3A_21 = arith.constant 32 : index
    %swap3A_22 = tpu.vector_load %arg10[%swap3A_20, %swap3A_21] {strides = array<i32>} : memref<16x128xf32, #tpu.memory_space<vmem>>, vector<1x16xf32>,
    %swap3A_23 = vector.shape_cast %swap3A_22 : vector<1x16xf32> to vector<16xf32>
    %swap3A_24 = vector.shape_cast %broadcast_in_dim3A_18 : vector<16xf32> to vector<1x16xf32>
    tpu.vector_store %arg10[%swap3A_20, %swap3A_21], %swap3A_24 {strides = array<i32>} : memref<16x128xf32, #tpu.memory_space<vmem>>, vector<1x16xf32>,
    %broadcast_in_dim3A_25 = arith.constant 0.000000e+00 : f32
    %broadcast_in_dim3A_26 = vector.broadcast %broadcast_in_dim3A_25 : f32 to vector<16xf32>
    %swap3A_27 = arith.constant 0 : i32
    %swap3A_28 = arith.index_cast %swap3A_27 : i32 to index
    %swap3A_29 = arith.constant 48 : index
    %swap3A_30 = tpu.vector_load %arg10[%swap3A_28, %swap3A_29] {strides = array<i32>} : memref<16x128xf32, #tpu.memory_space<vmem>>, vector<1x16xf32>,
    %swap3A_31 = vector.shape_cast %swap3A_30 : vector<1x16xf32> to vector<16xf32>
    %swap3A_32 = vector.shape_cast %broadcast_in_dim3A_26 : vector<16xf32> to vector<1x16xf32>
    tpu.vector_store %arg10[%swap3A_28, %swap3A_29], %swap3A_32 {strides = array<i32>} : memref<16x128xf32, #tpu.memory_space<vmem>>, vector<1x16xf32>,
    %broadcast_in_dim3A_33 = arith.constant 0.000000e+00 : f32
    %broadcast_in_dim3A_34 = vector.broadcast %broadcast_in_dim3A_33 : f32 to vector<16xf32>
    %swap3A_35 = arith.constant 0 : i32
    %swap3A_36 = arith.index_cast %swap3A_35 : i32 to index
    %swap3A_37 = arith.constant 64 : index
    %swap3A_38 = tpu.vector_load %arg10[%swap3A_36, %swap3A_37] {strides = array<i32>} : memref<16x128xf32, #tpu.memory_space<vmem>>, vector<1x16xf32>,
    %swap3A_39 = vector.shape_cast %swap3A_38 : vector<1x16xf32> to vector<16xf32>
    %swap3A_40 = vector.shape_cast %broadcast_in_dim3A_34 : vector<16xf32> to vector<1x16xf32>
    tpu.vector_store %arg10[%swap3A_36, %swap3A_37], %swap3A_40 {strides = array<i32>} : memref<16x128xf32, #tpu.memory_space<vmem>>, vector<1x16xf32>,
    %broadcast_in_dim3A_41 = arith.constant 0.000000e+00 : f32
    %broadcast_in_dim3A_42 = vector.broadcast %broadcast_in_dim3A_41 : f32 to vector<16xf32>
    %swap3A_43 = arith.constant 0 : i32
    %swap3A_44 = arith.index_cast %swap3A_43 : i32 to index
    %swap3A_45 = arith.constant 80 : index
    %swap3A_46 = tpu.vector_load %arg10[%swap3A_44, %swap3A_45] {strides = array<i32>} : memref<16x128xf32, #tpu.memory_space<vmem>>, vector<1x16xf32>,
    %swap3A_47 = vector.shape_cast %swap3A_46 : vector<1x16xf32> to vector<16xf32>
    %swap3A_48 = vector.shape_cast %broadcast_in_dim3A_42 : vector<16xf32> to vector<1x16xf32>
    tpu.vector_store %arg10[%swap3A_44, %swap3A_45], %swap3A_48 {strides = array<i32>} : memref<16x128xf32, #tpu.memory_space<vmem>>, vector<1x16xf32>,
    %broadcast_in_dim3A_49 = arith.constant 0.000000e+00 : f32
    %broadcast_in_dim3A_50 = vector.broadcast %broadcast_in_dim3A_49 : f32 to vector<16xf32>
    %swap3A_51 = arith.constant 0 : i32
    %swap3A_52 = arith.index_cast %swap3A_51 : i32 to index
    %swap3A_53 = arith.constant 96 : index
    %swap3A_54 = tpu.vector_load %arg10[%swap3A_52, %swap3A_53] {strides = array<i32>} : memref<16x128xf32, #tpu.memory_space<vmem>>, vector<1x16xf32>,
    %swap3A_55 = vector.shape_cast %swap3A_54 : vector<1x16xf32> to vector<16xf32>
    %swap3A_56 = vector.shape_cast %broadcast_in_dim3A_50 : vector<16xf32> to vector<1x16xf32>
    tpu.vector_store %arg10[%swap3A_52, %swap3A_53], %swap3A_56 {strides = array<i32>} : memref<16x128xf32, #tpu.memory_space<vmem>>, vector<1x16xf32>,
    %broadcast_in_dim3A_57 = arith.constant 0.000000e+00 : f32
    %broadcast_in_dim3A_58 = vector.broadcast %broadcast_in_dim3A_57 : f32 to vector<16xf32>
    %swap3A_59 = arith.constant 0 : i32
    %swap3A_60 = arith.index_cast %swap3A_59 : i32 to index
    %swap3A_61 = arith.constant 112 : index
    %swap3A_62 = tpu.vector_load %arg10[%swap3A_60, %swap3A_61] {strides = array<i32>} : memref<16x128xf32, #tpu.memory_space<vmem>>, vector<1x16xf32>,
    %swap3A_63 = vector.shape_cast %swap3A_62 : vector<1x16xf32> to vector<16xf32>
    %swap3A_64 = vector.shape_cast %broadcast_in_dim3A_58 : vector<16xf32> to vector<1x16xf32>
    tpu.vector_store %arg10[%swap3A_60, %swap3A_61], %swap3A_64 {strides = array<i32>} : memref<16x128xf32, #tpu.memory_space<vmem>>, vector<1x16xf32>,
    %broadcast_in_dim3A_65 = arith.constant 0.000000e+00 : f32
    %broadcast_in_dim3A_66 = vector.broadcast %broadcast_in_dim3A_65 : f32 to vector<16xf32>
    %swap3A_67 = arith.constant 1 : i32
    %swap3A_68 = arith.index_cast %swap3A_67 : i32 to index
    %swap3A_69 = arith.constant 0 : index
    %swap3A_70 = tpu.vector_load %arg10[%swap3A_68, %swap3A_69] {strides = array<i32>} : memref<16x128xf32, #tpu.memory_space<vmem>>, vector<1x16xf32>,
    %swap3A_71 = vector.shape_cast %swap3A_70 : vector<1x16xf32> to vector<16xf32>
    %swap3A_72 = vector.shape_cast %broadcast_in_dim3A_66 : vector<16xf32> to vector<1x16xf32>
    tpu.vector_store %arg10[%swap3A_68, %swap3A_69], %swap3A_72 {strides = array<i32>} : memref<16x128xf32, #tpu.memory_space<vmem>>, vector<1x16xf32>,
    %broadcast_in_dim3A_73 = arith.constant 0.000000e+00 : f32
    %broadcast_in_dim3A_74 = vector.broadcast %broadcast_in_dim3A_73 : f32 to vector<16xf32>
    %swap3A_75 = arith.constant 1 : i32
    %swap3A_76 = arith.index_cast %swap3A_75 : i32 to index
    %swap3A_77 = arith.constant 16 : index
    %swap3A_78 = tpu.vector_load %arg10[%swap3A_76, %swap3A_77] {strides = array<i32>} : memref<16x128xf32, #tpu.memory_space<vmem>>, vector<1x16xf32>,
    %swap3A_79 = vector.shape_cast %swap3A_78 : vector<1x16xf32> to vector<16xf32>
    %swap3A_80 = vector.shape_cast %broadcast_in_dim3A_74 : vector<16xf32> to vector<1x16xf32>
    tpu.vector_store %arg10[%swap3A_76, %swap3A_77], %swap3A_80 {strides = array<i32>} : memref<16x128xf32, #tpu.memory_space<vmem>>, vector<1x16xf32>,
    %broadcast_in_dim3A_81 = arith.constant 0.000000e+00 : f32
    %broadcast_in_dim3A_82 = vector.broadcast %broadcast_in_dim3A_81 : f32 to vector<16xf32>
    %swap3A_83 = arith.constant 1 : i32
    %swap3A_84 = arith.index_cast %swap3A_83 : i32 to index
    %swap3A_85 = arith.constant 32 : index
    %swap3A_86 = tpu.vector_load %arg10[%swap3A_84, %swap3A_85] {strides = array<i32>} : memref<16x128xf32, #tpu.memory_space<vmem>>, vector<1x16xf32>,
    %swap3A_87 = vector.shape_cast %swap3A_86 : vector<1x16xf32> to vector<16xf32>
    %swap3A_88 = vector.shape_cast %broadcast_in_dim3A_82 : vector<16xf32> to vector<1x16xf32>
    tpu.vector_store %arg10[%swap3A_84, %swap3A_85], %swap3A_88 {strides = array<i32>} : memref<16x128xf32, #tpu.memory_space<vmem>>, vector<1x16xf32>,
    %broadcast_in_dim3A_89 = arith.constant 0.000000e+00 : f32
    %broadcast_in_dim3A_90 = vector.broadcast %broadcast_in_dim3A_89 : f32 to vector<16xf32>
    %swap3A_91 = arith.constant 1 : i32
    %swap3A_92 = arith.index_cast %swap3A_91 : i32 to index
    %swap3A_93 = arith.constant 48 : index
    %swap3A_94 = tpu.vector_load %arg10[%swap3A_92, %swap3A_93] {strides = array<i32>} : memref<16x128xf32, #tpu.memory_space<vmem>>, vector<1x16xf32>,
    %swap3A_95 = vector.shape_cast %swap3A_94 : vector<1x16xf32> to vector<16xf32>
    %swap3A_96 = vector.shape_cast %broadcast_in_dim3A_90 : vector<16xf32> to vector<1x16xf32>
    tpu.vector_store %arg10[%swap3A_92, %swap3A_93], %swap3A_96 {strides = array<i32>} : memref<16x128xf32, #tpu.memory_space<vmem>>, vector<1x16xf32>,
    %broadcast_in_dim3A_97 = arith.constant 0.000000e+00 : f32
    %broadcast_in_dim3A_98 = vector.broadcast %broadcast_in_dim3A_97 : f32 to vector<16xf32>
    %swap3A_99 = arith.constant 1 : i32
    %swap3A_100 = arith.index_cast %swap3A_99 : i32 to index
    %swap3A_101 = arith.constant 64 : index
    %swap3A_102 = tpu.vector_load %arg10[%swap3A_100, %swap3A_101] {strides = array<i32>} : memref<16x128xf32, #tpu.memory_space<vmem>>, vector<1x16xf32>,
    %swap3A_103 = vector.shape_cast %swap3A_102 : vector<1x16xf32> to vector<16xf32>
    %swap3A_104 = vector.shape_cast %broadcast_in_dim3A_98 : vector<16xf32> to vector<1x16xf32>
    tpu.vector_store %arg10[%swap3A_100, %swap3A_101], %swap3A_104 {strides = array<i32>} : memref<16x128xf32, #tpu.memory_space<vmem>>, vector<1x16xf32>,
    %broadcast_in_dim3A_105 = arith.constant 0.000000e+00 : f32
    %broadcast_in_dim3A_106 = vector.broadcast %broadcast_in_dim3A_105 : f32 to vector<16xf32>
    %swap3A_107 = arith.constant 1 : i32
    %swap3A_108 = arith.index_cast %swap3A_107 : i32 to index
    %swap3A_109 = arith.constant 80 : index
    %swap3A_110 = tpu.vector_load %arg10[%swap3A_108, %swap3A_109] {strides = array<i32>} : memref<16x128xf32, #tpu.memory_space<vmem>>, vector<1x16xf32>,
    %swap3A_111 = vector.shape_cast %swap3A_110 : vector<1x16xf32> to vector<16xf32>
    %swap3A_112 = vector.shape_cast %broadcast_in_dim3A_106 : vector<16xf32> to vector<1x16xf32>
    tpu.vector_store %arg10[%swap3A_108, %swap3A_109], %swap3A_112 {strides = array<i32>} : memref<16x128xf32, #tpu.memory_space<vmem>>, vector<1x16xf32>,
    %broadcast_in_dim3A_113 = arith.constant 0.000000e+00 : f32
    %broadcast_in_dim3A_114 = vector.broadcast %broadcast_in_dim3A_113 : f32 to vector<16xf32>
    %swap3A_115 = arith.constant 1 : i32
    %swap3A_116 = arith.index_cast %swap3A_115 : i32 to index
    %swap3A_117 = arith.constant 96 : index
    %swap3A_118 = tpu.vector_load %arg10[%swap3A_116, %swap3A_117] {strides = array<i32>} : memref<16x128xf32, #tpu.memory_space<vmem>>, vector<1x16xf32>,
    %swap3A_119 = vector.shape_cast %swap3A_118 : vector<1x16xf32> to vector<16xf32>
    %swap3A_120 = vector.shape_cast %broadcast_in_dim3A_114 : vector<16xf32> to vector<1x16xf32>
    tpu.vector_store %arg10[%swap3A_116, %swap3A_117], %swap3A_120 {strides = array<i32>} : memref<16x128xf32, #tpu.memory_space<vmem>>, vector<1x16xf32>,
    %broadcast_in_dim3A_121 = arith.constant 0.000000e+00 : f32
    %broadcast_in_dim3A_122 = vector.broadcast %broadcast_in_dim3A_121 : f32 to vector<16xf32>
    %swap3A_123 = arith.constant 1 : i32
    %swap3A_124 = arith.index_cast %swap3A_123 : i32 to index
    %swap3A_125 = arith.constant 112 : index
    %swap3A_126 = tpu.vector_load %arg10[%swap3A_124, %swap3A_125] {strides = array<i32>} : memref<16x128xf32, #tpu.memory_space<vmem>>, vector<1x16xf32>,
    %swap3A_127 = vector.shape_cast %swap3A_126 : vector<1x16xf32> to vector<16xf32>
    %swap3A_128 = vector.shape_cast %broadcast_in_dim3A_122 : vector<16xf32> to vector<1x16xf32>
    tpu.vector_store %arg10[%swap3A_124, %swap3A_125], %swap3A_128 {strides = array<i32>} : memref<16x128xf32, #tpu.memory_space<vmem>>, vector<1x16xf32>,
    %broadcast_in_dim3A_129 = arith.constant 0.000000e+00 : f32
    %broadcast_in_dim3A_130 = vector.broadcast %broadcast_in_dim3A_129 : f32 to vector<16xf32>
    %swap3A_131 = arith.constant 2 : i32
    %swap3A_132 = arith.index_cast %swap3A_131 : i32 to index
    %swap3A_133 = arith.constant 0 : index
    %swap3A_134 = tpu.vector_load %arg10[%swap3A_132, %swap3A_133] {strides = array<i32>} : memref<16x128xf32, #tpu.memory_space<vmem>>, vector<1x16xf32>,
    %swap3A_135 = vector.shape_cast %swap3A_134 : vector<1x16xf32> to vector<16xf32>
    %swap3A_136 = vector.shape_cast %broadcast_in_dim3A_130 : vector<16xf32> to vector<1x16xf32>
    tpu.vector_store %arg10[%swap3A_132, %swap3A_133], %swap3A_136 {strides = array<i32>} : memref<16x128xf32, #tpu.memory_space<vmem>>, vector<1x16xf32>,
    %broadcast_in_dim3A_137 = arith.constant 0.000000e+00 : f32
    %broadcast_in_dim3A_138 = vector.broadcast %broadcast_in_dim3A_137 : f32 to vector<16xf32>
    %swap3A_139 = arith.constant 2 : i32
    %swap3A_140 = arith.index_cast %swap3A_139 : i32 to index
    %swap3A_141 = arith.constant 16 : index
    %swap3A_142 = tpu.vector_load %arg10[%swap3A_140, %swap3A_141] {strides = array<i32>} : memref<16x128xf32, #tpu.memory_space<vmem>>, vector<1x16xf32>,
    %swap3A_143 = vector.shape_cast %swap3A_142 : vector<1x16xf32> to vector<16xf32>
    %swap3A_144 = vector.shape_cast %broadcast_in_dim3A_138 : vector<16xf32> to vector<1x16xf32>
    tpu.vector_store %arg10[%swap3A_140, %swap3A_141], %swap3A_144 {strides = array<i32>} : memref<16x128xf32, #tpu.memory_space<vmem>>, vector<1x16xf32>,
    %broadcast_in_dim3A_145 = arith.constant 0.000000e+00 : f32
    %broadcast_in_dim3A_146 = vector.broadcast %broadcast_in_dim3A_145 : f32 to vector<16xf32>
    %swap3A_147 = arith.constant 2 : i32
    %swap3A_148 = arith.index_cast %swap3A_147 : i32 to index
    %swap3A_149 = arith.constant 32 : index
    %swap3A_150 = tpu.vector_load %arg10[%swap3A_148, %swap3A_149] {strides = array<i32>} : memref<16x128xf32, #tpu.memory_space<vmem>>, vector<1x16xf32>,
    %swap3A_151 = vector.shape_cast %swap3A_150 : vector<1x16xf32> to vector<16xf32>
    %swap3A_152 = vector.shape_cast %broadcast_in_dim3A_146 : vector<16xf32> to vector<1x16xf32>
    tpu.vector_store %arg10[%swap3A_148, %swap3A_149], %swap3A_152 {strides = array<i32>} : memref<16x128xf32, #tpu.memory_space<vmem>>, vector<1x16xf32>,
    %broadcast_in_dim3A_153 = arith.constant 0.000000e+00 : f32
    %broadcast_in_dim3A_154 = vector.broadcast %broadcast_in_dim3A_153 : f32 to vector<16xf32>
    %swap3A_155 = arith.constant 2 : i32
    %swap3A_156 = arith.index_cast %swap3A_155 : i32 to index
    %swap3A_157 = arith.constant 48 : index
    %swap3A_158 = tpu.vector_load %arg10[%swap3A_156, %swap3A_157] {strides = array<i32>} : memref<16x128xf32, #tpu.memory_space<vmem>>, vector<1x16xf32>,
    %swap3A_159 = vector.shape_cast %swap3A_158 : vector<1x16xf32> to vector<16xf32>
    %swap3A_160 = vector.shape_cast %broadcast_in_dim3A_154 : vector<16xf32> to vector<1x16xf32>
    tpu.vector_store %arg10[%swap3A_156, %swap3A_157], %swap3A_160 {strides = array<i32>} : memref<16x128xf32, #tpu.memory_space<vmem>>, vector<1x16xf32>,
    %broadcast_in_dim3A_161 = arith.constant 0.000000e+00 : f32
    %broadcast_in_dim3A_162 = vector.broadcast %broadcast_in_dim3A_161 : f32 to vector<16xf32>
    %swap3A_163 = arith.constant 2 : i32
    %swap3A_164 = arith.index_cast %swap3A_163 : i32 to index
    %swap3A_165 = arith.constant 64 : index
    %swap3A_166 = tpu.vector_load %arg10[%swap3A_164, %swap3A_165] {strides = array<i32>} : memref<16x128xf32, #tpu.memory_space<vmem>>, vector<1x16xf32>,
    %swap3A_167 = vector.shape_cast %swap3A_166 : vector<1x16xf32> to vector<16xf32>
    %swap3A_168 = vector.shape_cast %broadcast_in_dim3A_162 : vector<16xf32> to vector<1x16xf32>
    tpu.vector_store %arg10[%swap3A_164, %swap3A_165], %swap3A_168 {strides = array<i32>} : memref<16x128xf32, #tpu.memory_space<vmem>>, vector<1x16xf32>,
    %broadcast_in_dim3A_169 = arith.constant 0.000000e+00 : f32
    %broadcast_in_dim3A_170 = vector.broadcast %broadcast_in_dim3A_169 : f32 to vector<16xf32>
    %swap3A_171 = arith.constant 2 : i32
    %swap3A_172 = arith.index_cast %swap3A_171 : i32 to index
    %swap3A_173 = arith.constant 80 : index
    %swap3A_174 = tpu.vector_load %arg10[%swap3A_172, %swap3A_173] {strides = array<i32>} : memref<16x128xf32, #tpu.memory_space<vmem>>, vector<1x16xf32>,
    %swap3A_175 = vector.shape_cast %swap3A_174 : vector<1x16xf32> to vector<16xf32>
    %swap3A_176 = vector.shape_cast %broadcast_in_dim3A_170 : vector<16xf32> to vector<1x16xf32>
    tpu.vector_store %arg10[%swap3A_172, %swap3A_173], %swap3A_176 {strides = array<i32>} : memref<16x128xf32, #tpu.memory_space<vmem>>, vector<1x16xf32>,
    %broadcast_in_dim3A_177 = arith.constant 0.000000e+00 : f32
    %broadcast_in_dim3A_178 = vector.broadcast %broadcast_in_dim3A_177 : f32 to vector<16xf32>
    %swap3A_179 = arith.constant 2 : i32
    %swap3A_180 = arith.index_cast %swap3A_179 : i32 to index
    %swap3A_181 = arith.constant 96 : index
    %swap3A_182 = tpu.vector_load %arg10[%swap3A_180, %swap3A_181] {strides = array<i32>} : memref<16x128xf32, #tpu.memory_space<vmem>>, vector<1x16xf32>,
    %swap3A_183 = vector.shape_cast %swap3A_182 : vector<1x16xf32> to vector<16xf32>
    %swap3A_184 = vector.shape_cast %broadcast_in_dim3A_178 : vector<16xf32> to vector<1x16xf32>
    tpu.vector_store %arg10[%swap3A_180, %swap3A_181], %swap3A_184 {strides = array<i32>} : memref<16x128xf32, #tpu.memory_space<vmem>>, vector<1x16xf32>,
    %broadcast_in_dim3A_185 = arith.constant 0.000000e+00 : f32
    %broadcast_in_dim3A_186 = vector.broadcast %broadcast_in_dim3A_185 : f32 to vector<16xf32>
    %swap3A_187 = arith.constant 2 : i32
    %swap3A_188 = arith.index_cast %swap3A_187 : i32 to index
    %swap3A_189 = arith.constant 112 : index
    %swap3A_190 = tpu.vector_load %arg10[%swap3A_188, %swap3A_189] {strides = array<i32>} : memref<16x128xf32, #tpu.memory_space<vmem>>, vector<1x16xf32>,
    %swap3A_191 = vector.shape_cast %swap3A_190 : vector<1x16xf32> to vector<16xf32>
    %swap3A_192 = vector.shape_cast %broadcast_in_dim3A_186 : vector<16xf32> to vector<1x16xf32>
    tpu.vector_store %arg10[%swap3A_188, %swap3A_189], %swap3A_192 {strides = array<i32>} : memref<16x128xf32, #tpu.memory_space<vmem>>, vector<1x16xf32>,
    %broadcast_in_dim3A_193 = arith.constant 0.000000e+00 : f32
    %broadcast_in_dim3A_194 = vector.broadcast %broadcast_in_dim3A_193 : f32 to vector<16xf32>
    %swap3A_195 = arith.constant 3 : i32
    %swap3A_196 = arith.index_cast %swap3A_195 : i32 to index
    %swap3A_197 = arith.constant 0 : index
    %swap3A_198 = tpu.vector_load %arg10[%swap3A_196, %swap3A_197] {strides = array<i32>} : memref<16x128xf32, #tpu.memory_space<vmem>>, vector<1x16xf32>,
    %swap3A_199 = vector.shape_cast %swap3A_198 : vector<1x16xf32> to vector<16xf32>
    %swap3A_200 = vector.shape_cast %broadcast_in_dim3A_194 : vector<16xf32> to vector<1x16xf32>
    tpu.vector_store %arg10[%swap3A_196, %swap3A_197], %swap3A_200 {strides = array<i32>} : memref<16x128xf32, #tpu.memory_space<vmem>>, vector<1x16xf32>,
    %broadcast_in_dim3A_201 = arith.constant 0.000000e+00 : f32
    %broadcast_in_dim3A_202 = vector.broadcast %broadcast_in_dim3A_201 : f32 to vector<16xf32>
    %swap3A_203 = arith.constant 3 : i32
    %swap3A_204 = arith.index_cast %swap3A_203 : i32 to index
    %swap3A_205 = arith.constant 16 : index
    %swap3A_206 = tpu.vector_load %arg10[%swap3A_204, %swap3A_205] {strides = array<i32>} : memref<16x128xf32, #tpu.memory_space<vmem>>, vector<1x16xf32>,
    %swap3A_207 = vector.shape_cast %swap3A_206 : vector<1x16xf32> to vector<16xf32>
    %swap3A_208 = vector.shape_cast %broadcast_in_dim3A_202 : vector<16xf32> to vector<1x16xf32>
    tpu.vector_store %arg10[%swap3A_204, %swap3A_205], %swap3A_208 {strides = array<i32>} : memref<16x128xf32, #tpu.memory_space<vmem>>, vector<1x16xf32>,
    %broadcast_in_dim3A_209 = arith.constant 0.000000e+00 : f32
    %broadcast_in_dim3A_210 = vector.broadcast %broadcast_in_dim3A_209 : f32 to vector<16xf32>
    %swap3A_211 = arith.constant 3 : i32
    %swap3A_212 = arith.index_cast %swap3A_211 : i32 to index
    %swap3A_213 = arith.constant 32 : index
    %swap3A_214 = tpu.vector_load %arg10[%swap3A_212, %swap3A_213] {strides = array<i32>} : memref<16x128xf32, #tpu.memory_space<vmem>>, vector<1x16xf32>,
    %swap3A_215 = vector.shape_cast %swap3A_214 : vector<1x16xf32> to vector<16xf32>
    %swap3A_216 = vector.shape_cast %broadcast_in_dim3A_210 : vector<16xf32> to vector<1x16xf32>
    tpu.vector_store %arg10[%swap3A_212, %swap3A_213], %swap3A_216 {strides = array<i32>} : memref<16x128xf32, #tpu.memory_space<vmem>>, vector<1x16xf32>,
    %broadcast_in_dim3A_217 = arith.constant 0.000000e+00 : f32
    %broadcast_in_dim3A_218 = vector.broadcast %broadcast_in_dim3A_217 : f32 to vector<16xf32>
    %swap3A_219 = arith.constant 3 : i32
    %swap3A_220 = arith.index_cast %swap3A_219 : i32 to index
    %swap3A_221 = arith.constant 48 : index
    %swap3A_222 = tpu.vector_load %arg10[%swap3A_220, %swap3A_221] {strides = array<i32>} : memref<16x128xf32, #tpu.memory_space<vmem>>, vector<1x16xf32>,
    %swap3A_223 = vector.shape_cast %swap3A_222 : vector<1x16xf32> to vector<16xf32>
    %swap3A_224 = vector.shape_cast %broadcast_in_dim3A_218 : vector<16xf32> to vector<1x16xf32>
    tpu.vector_store %arg10[%swap3A_220, %swap3A_221], %swap3A_224 {strides = array<i32>} : memref<16x128xf32, #tpu.memory_space<vmem>>, vector<1x16xf32>,
    %broadcast_in_dim3A_225 = arith.constant 0.000000e+00 : f32
    %broadcast_in_dim3A_226 = vector.broadcast %broadcast_in_dim3A_225 : f32 to vector<16xf32>
    %swap3A_227 = arith.constant 3 : i32
    %swap3A_228 = arith.index_cast %swap3A_227 : i32 to index
    %swap3A_229 = arith.constant 64 : index
    %swap3A_230 = tpu.vector_load %arg10[%swap3A_228, %swap3A_229] {strides = array<i32>} : memref<16x128xf32, #tpu.memory_space<vmem>>, vector<1x16xf32>,
    %swap3A_231 = vector.shape_cast %swap3A_230 : vector<1x16xf32> to vector<16xf32>
    %swap3A_232 = vector.shape_cast %broadcast_in_dim3A_226 : vector<16xf32> to vector<1x16xf32>
    tpu.vector_store %arg10[%swap3A_228, %swap3A_229], %swap3A_232 {strides = array<i32>} : memref<16x128xf32, #tpu.memory_space<vmem>>, vector<1x16xf32>,
    %broadcast_in_dim3A_233 = arith.constant 0.000000e+00 : f32
    %broadcast_in_dim3A_234 = vector.broadcast %broadcast_in_dim3A_233 : f32 to vector<16xf32>
    %swap3A_235 = arith.constant 3 : i32
    %swap3A_236 = arith.index_cast %swap3A_235 : i32 to index
    %swap3A_237 = arith.constant 80 : index
    %swap3A_238 = tpu.vector_load %arg10[%swap3A_236, %swap3A_237] {strides = array<i32>} : memref<16x128xf32, #tpu.memory_space<vmem>>, vector<1x16xf32>,
    %swap3A_239 = vector.shape_cast %swap3A_238 : vector<1x16xf32> to vector<16xf32>
    %swap3A_240 = vector.shape_cast %broadcast_in_dim3A_234 : vector<16xf32> to vector<1x16xf32>
    tpu.vector_store %arg10[%swap3A_236, %swap3A_237], %swap3A_240 {strides = array<i32>} : memref<16x128xf32, #tpu.memory_space<vmem>>, vector<1x16xf32>,
    %broadcast_in_dim3A_241 = arith.constant 0.000000e+00 : f32
    %broadcast_in_dim3A_242 = vector.broadcast %broadcast_in_dim3A_241 : f32 to vector<16xf32>
    %swap3A_243 = arith.constant 3 : i32
    %swap3A_244 = arith.index_cast %swap3A_243 : i32 to index
    %swap3A_245 = arith.constant 96 : index
    %swap3A_246 = tpu.vector_load %arg10[%swap3A_244, %swap3A_245] {strides = array<i32>} : memref<16x128xf32, #tpu.memory_space<vmem>>, vector<1x16xf32>,
    %swap3A_247 = vector.shape_cast %swap3A_246 : vector<1x16xf32> to vector<16xf32>
    %swap3A_248 = vector.shape_cast %broadcast_in_dim3A_242 : vector<16xf32> to vector<1x16xf32>
    tpu.vector_store %arg10[%swap3A_244, %swap3A_245], %swap3A_248 {strides = array<i32>} : memref<16x128xf32, #tpu.memory_space<vmem>>, vector<1x16xf32>,
    %broadcast_in_dim3A_249 = arith.constant 0.000000e+00 : f32
    %broadcast_in_dim3A_250 = vector.broadcast %broadcast_in_dim3A_249 : f32 to vector<16xf32>
    %swap3A_251 = arith.constant 3 : i32
    %swap3A_252 = arith.index_cast %swap3A_251 : i32 to index
    %swap3A_253 = arith.constant 112 : index
    %swap3A_254 = tpu.vector_load %arg10[%swap3A_252, %swap3A_253] {strides = array<i32>} : memref<16x128xf32, #tpu.memory_space<vmem>>, vector<1x16xf32>,
    %swap3A_255 = vector.shape_cast %swap3A_254 : vector<1x16xf32> to vector<16xf32>
    %swap3A_256 = vector.shape_cast %broadcast_in_dim3A_250 : vector<16xf32> to vector<1x16xf32>
    tpu.vector_store %arg10[%swap3A_252, %swap3A_253], %swap3A_256 {strides = array<i32>} : memref<16x128xf32, #tpu.memory_space<vmem>>, vector<1x16xf32>,
    %broadcast_in_dim3A_257 = arith.constant 0.000000e+00 : f32
    %broadcast_in_dim3A_258 = vector.broadcast %broadcast_in_dim3A_257 : f32 to vector<16xf32>
    %swap3A_259 = arith.constant 4 : i32
    %swap3A_260 = arith.index_cast %swap3A_259 : i32 to index
    %swap3A_261 = arith.constant 0 : index
    %swap3A_262 = tpu.vector_load %arg10[%swap3A_260, %swap3A_261] {strides = array<i32>} : memref<16x128xf32, #tpu.memory_space<vmem>>, vector<1x16xf32>,
    %swap3A_263 = vector.shape_cast %swap3A_262 : vector<1x16xf32> to vector<16xf32>
    %swap3A_264 = vector.shape_cast %broadcast_in_dim3A_258 : vector<16xf32> to vector<1x16xf32>
    tpu.vector_store %arg10[%swap3A_260, %swap3A_261], %swap3A_264 {strides = array<i32>} : memref<16x128xf32, #tpu.memory_space<vmem>>, vector<1x16xf32>,
    %broadcast_in_dim3A_265 = arith.constant 0.000000e+00 : f32
    %broadcast_in_dim3A_266 = vector.broadcast %broadcast_in_dim3A_265 : f32 to vector<16xf32>
    %swap3A_267 = arith.constant 4 : i32
    %swap3A_268 = arith.index_cast %swap3A_267 : i32 to index
    %swap3A_269 = arith.constant 16 : index
    %swap3A_270 = tpu.vector_load %arg10[%swap3A_268, %swap3A_269] {strides = array<i32>} : memref<16x128xf32, #tpu.memory_space<vmem>>, vector<1x16xf32>,
    %swap3A_271 = vector.shape_cast %swap3A_270 : vector<1x16xf32> to vector<16xf32>
    %swap3A_272 = vector.shape_cast %broadcast_in_dim3A_266 : vector<16xf32> to vector<1x16xf32>
    tpu.vector_store %arg10[%swap3A_268, %swap3A_269], %swap3A_272 {strides = array<i32>} : memref<16x128xf32, #tpu.memory_space<vmem>>, vector<1x16xf32>,
    %broadcast_in_dim3A_273 = arith.constant 0.000000e+00 : f32
    %broadcast_in_dim3A_274 = vector.broadcast %broadcast_in_dim3A_273 : f32 to vector<16xf32>
    %swap3A_275 = arith.constant 4 : i32
    %swap3A_276 = arith.index_cast %swap3A_275 : i32 to index
    %swap3A_277 = arith.constant 32 : index
    %swap3A_278 = tpu.vector_load %arg10[%swap3A_276, %swap3A_277] {strides = array<i32>} : memref<16x128xf32, #tpu.memory_space<vmem>>, vector<1x16xf32>,
    %swap3A_279 = vector.shape_cast %swap3A_278 : vector<1x16xf32> to vector<16xf32>
    %swap3A_280 = vector.shape_cast %broadcast_in_dim3A_274 : vector<16xf32> to vector<1x16xf32>
    tpu.vector_store %arg10[%swap3A_276, %swap3A_277], %swap3A_280 {strides = array<i32>} : memref<16x128xf32, #tpu.memory_space<vmem>>, vector<1x16xf32>,
    %broadcast_in_dim3A_281 = arith.constant 0.000000e+00 : f32
    %broadcast_in_dim3A_282 = vector.broadcast %broadcast_in_dim3A_281 : f32 to vector<16xf32>
    %swap3A_283 = arith.constant 4 : i32
    %swap3A_284 = arith.index_cast %swap3A_283 : i32 to index
    %swap3A_285 = arith.constant 48 : index
    %swap3A_286 = tpu.vector_load %arg10[%swap3A_284, %swap3A_285] {strides = array<i32>} : memref<16x128xf32, #tpu.memory_space<vmem>>, vector<1x16xf32>,
    %swap3A_287 = vector.shape_cast %swap3A_286 : vector<1x16xf32> to vector<16xf32>
    %swap3A_288 = vector.shape_cast %broadcast_in_dim3A_282 : vector<16xf32> to vector<1x16xf32>
    tpu.vector_store %arg10[%swap3A_284, %swap3A_285], %swap3A_288 {strides = array<i32>} : memref<16x128xf32, #tpu.memory_space<vmem>>, vector<1x16xf32>,
    %broadcast_in_dim3A_289 = arith.constant 0.000000e+00 : f32
    %broadcast_in_dim3A_290 = vector.broadcast %broadcast_in_dim3A_289 : f32 to vector<16xf32>
    %swap3A_291 = arith.constant 4 : i32
    %swap3A_292 = arith.index_cast %swap3A_291 : i32 to index
    %swap3A_293 = arith.constant 64 : index
    %swap3A_294 = tpu.vector_load %arg10[%swap3A_292, %swap3A_293] {strides = array<i32>} : memref<16x128xf32, #tpu.memory_space<vmem>>, vector<1x16xf32>,
    %swap3A_295 = vector.shape_cast %swap3A_294 : vector<1x16xf32> to vector<16xf32>
    %swap3A_296 = vector.shape_cast %broadcast_in_dim3A_290 : vector<16xf32> to vector<1x16xf32>
    tpu.vector_store %arg10[%swap3A_292, %swap3A_293], %swap3A_296 {strides = array<i32>} : memref<16x128xf32, #tpu.memory_space<vmem>>, vector<1x16xf32>,
    %broadcast_in_dim3A_297 = arith.constant 0.000000e+00 : f32
    %broadcast_in_dim3A_298 = vector.broadcast %broadcast_in_dim3A_297 : f32 to vector<16xf32>
    %swap3A_299 = arith.constant 4 : i32
    %swap3A_300 = arith.index_cast %swap3A_299 : i32 to index
    %swap3A_301 = arith.constant 80 : index
    %swap3A_302 = tpu.vector_load %arg10[%swap3A_300, %swap3A_301] {strides = array<i32>} : memref<16x128xf32, #tpu.memory_space<vmem>>, vector<1x16xf32>,
    %swap3A_303 = vector.shape_cast %swap3A_302 : vector<1x16xf32> to vector<16xf32>
    %swap3A_304 = vector.shape_cast %broadcast_in_dim3A_298 : vector<16xf32> to vector<1x16xf32>
    tpu.vector_store %arg10[%swap3A_300, %swap3A_301], %swap3A_304 {strides = array<i32>} : memref<16x128xf32, #tpu.memory_space<vmem>>, vector<1x16xf32>,
    %broadcast_in_dim3A_305 = arith.constant 0.000000e+00 : f32
    %broadcast_in_dim3A_306 = vector.broadcast %broadcast_in_dim3A_305 : f32 to vector<16xf32>
    %swap3A_307 = arith.constant 4 : i32
    %swap3A_308 = arith.index_cast %swap3A_307 : i32 to index
    %swap3A_309 = arith.constant 96 : index
    %swap3A_310 = tpu.vector_load %arg10[%swap3A_308, %swap3A_309] {strides = array<i32>} : memref<16x128xf32, #tpu.memory_space<vmem>>, vector<1x16xf32>,
    %swap3A_311 = vector.shape_cast %swap3A_310 : vector<1x16xf32> to vector<16xf32>
    %swap3A_312 = vector.shape_cast %broadcast_in_dim3A_306 : vector<16xf32> to vector<1x16xf32>
    tpu.vector_store %arg10[%swap3A_308, %swap3A_309], %swap3A_312 {strides = array<i32>} : memref<16x128xf32, #tpu.memory_space<vmem>>, vector<1x16xf32>,
    %broadcast_in_dim3A_313 = arith.constant 0.000000e+00 : f32
    %broadcast_in_dim3A_314 = vector.broadcast %broadcast_in_dim3A_313 : f32 to vector<16xf32>
    %swap3A_315 = arith.constant 4 : i32
    %swap3A_316 = arith.index_cast %swap3A_315 : i32 to index
    %swap3A_317 = arith.constant 112 : index
    %swap3A_318 = tpu.vector_load %arg10[%swap3A_316, %swap3A_317] {strides = array<i32>} : memref<16x128xf32, #tpu.memory_space<vmem>>, vector<1x16xf32>,
    %swap3A_319 = vector.shape_cast %swap3A_318 : vector<1x16xf32> to vector<16xf32>
    %swap3A_320 = vector.shape_cast %broadcast_in_dim3A_314 : vector<16xf32> to vector<1x16xf32>
    tpu.vector_store %arg10[%swap3A_316, %swap3A_317], %swap3A_320 {strides = array<i32>} : memref<16x128xf32, #tpu.memory_space<vmem>>, vector<1x16xf32>,
    %broadcast_in_dim3A_321 = arith.constant 0.000000e+00 : f32
    %broadcast_in_dim3A_322 = vector.broadcast %broadcast_in_dim3A_321 : f32 to vector<16xf32>
    %swap3A_323 = arith.constant 5 : i32
    %swap3A_324 = arith.index_cast %swap3A_323 : i32 to index
    %swap3A_325 = arith.constant 0 : index
    %swap3A_326 = tpu.vector_load %arg10[%swap3A_324, %swap3A_325] {strides = array<i32>} : memref<16x128xf32, #tpu.memory_space<vmem>>, vector<1x16xf32>,
    %swap3A_327 = vector.shape_cast %swap3A_326 : vector<1x16xf32> to vector<16xf32>
    %swap3A_328 = vector.shape_cast %broadcast_in_dim3A_322 : vector<16xf32> to vector<1x16xf32>
    tpu.vector_store %arg10[%swap3A_324, %swap3A_325], %swap3A_328 {strides = array<i32>} : memref<16x128xf32, #tpu.memory_space<vmem>>, vector<1x16xf32>,
    %broadcast_in_dim3A_329 = arith.constant 0.000000e+00 : f32
    %broadcast_in_dim3A_330 = vector.broadcast %broadcast_in_dim3A_329 : f32 to vector<16xf32>
    %swap3A_331 = arith.constant 5 : i32
    %swap3A_332 = arith.index_cast %swap3A_331 : i32 to index
    %swap3A_333 = arith.constant 16 : index
    %swap3A_334 = tpu.vector_load %arg10[%swap3A_332, %swap3A_333] {strides = array<i32>} : memref<16x128xf32, #tpu.memory_space<vmem>>, vector<1x16xf32>,
    %swap3A_335 = vector.shape_cast %swap3A_334 : vector<1x16xf32> to vector<16xf32>
    %swap3A_336 = vector.shape_cast %broadcast_in_dim3A_330 : vector<16xf32> to vector<1x16xf32>
    tpu.vector_store %arg10[%swap3A_332, %swap3A_333], %swap3A_336 {strides = array<i32>} : memref<16x128xf32, #tpu.memory_space<vmem>>, vector<1x16xf32>,
    %broadcast_in_dim3A_337 = arith.constant 0.000000e+00 : f32
    %broadcast_in_dim3A_338 = vector.broadcast %broadcast_in_dim3A_337 : f32 to vector<16xf32>
    %swap3A_339 = arith.constant 5 : i32
    %swap3A_340 = arith.index_cast %swap3A_339 : i32 to index
    %swap3A_341 = arith.constant 32 : index
    %swap3A_342 = tpu.vector_load %arg10[%swap3A_340, %swap3A_341] {strides = array<i32>} : memref<16x128xf32, #tpu.memory_space<vmem>>, vector<1x16xf32>,
    %swap3A_343 = vector.shape_cast %swap3A_342 : vector<1x16xf32> to vector<16xf32>
    %swap3A_344 = vector.shape_cast %broadcast_in_dim3A_338 : vector<16xf32> to vector<1x16xf32>
    tpu.vector_store %arg10[%swap3A_340, %swap3A_341], %swap3A_344 {strides = array<i32>} : memref<16x128xf32, #tpu.memory_space<vmem>>, vector<1x16xf32>,
    %broadcast_in_dim3A_345 = arith.constant 0.000000e+00 : f32
    %broadcast_in_dim3A_346 = vector.broadcast %broadcast_in_dim3A_345 : f32 to vector<16xf32>
    %swap3A_347 = arith.constant 5 : i32
    %swap3A_348 = arith.index_cast %swap3A_347 : i32 to index
    %swap3A_349 = arith.constant 48 : index
    %swap3A_350 = tpu.vector_load %arg10[%swap3A_348, %swap3A_349] {strides = array<i32>} : memref<16x128xf32, #tpu.memory_space<vmem>>, vector<1x16xf32>,
    %swap3A_351 = vector.shape_cast %swap3A_350 : vector<1x16xf32> to vector<16xf32>
    %swap3A_352 = vector.shape_cast %broadcast_in_dim3A_346 : vector<16xf32> to vector<1x16xf32>
    tpu.vector_store %arg10[%swap3A_348, %swap3A_349], %swap3A_352 {strides = array<i32>} : memref<16x128xf32, #tpu.memory_space<vmem>>, vector<1x16xf32>,
    %broadcast_in_dim3A_353 = arith.constant 0.000000e+00 : f32
    %broadcast_in_dim3A_354 = vector.broadcast %broadcast_in_dim3A_353 : f32 to vector<16xf32>
    %swap3A_355 = arith.constant 5 : i32
    %swap3A_356 = arith.index_cast %swap3A_355 : i32 to index
    %swap3A_357 = arith.constant 64 : index
    %swap3A_358 = tpu.vector_load %arg10[%swap3A_356, %swap3A_357] {strides = array<i32>} : memref<16x128xf32, #tpu.memory_space<vmem>>, vector<1x16xf32>,
    %swap3A_359 = vector.shape_cast %swap3A_358 : vector<1x16xf32> to vector<16xf32>
    %swap3A_360 = vector.shape_cast %broadcast_in_dim3A_354 : vector<16xf32> to vector<1x16xf32>
    tpu.vector_store %arg10[%swap3A_356, %swap3A_357], %swap3A_360 {strides = array<i32>} : memref<16x128xf32, #tpu.memory_space<vmem>>, vector<1x16xf32>,
    %broadcast_in_dim3A_361 = arith.constant 0.000000e+00 : f32
    %broadcast_in_dim3A_362 = vector.broadcast %broadcast_in_dim3A_361 : f32 to vector<16xf32>
    %swap3A_363 = arith.constant 5 : i32
    %swap3A_364 = arith.index_cast %swap3A_363 : i32 to index
    %swap3A_365 = arith.constant 80 : index
    %swap3A_366 = tpu.vector_load %arg10[%swap3A_364, %swap3A_365] {strides = array<i32>} : memref<16x128xf32, #tpu.memory_space<vmem>>, vector<1x16xf32>,
    %swap3A_367 = vector.shape_cast %swap3A_366 : vector<1x16xf32> to vector<16xf32>
    %swap3A_368 = vector.shape_cast %broadcast_in_dim3A_362 : vector<16xf32> to vector<1x16xf32>
    tpu.vector_store %arg10[%swap3A_364, %swap3A_365], %swap3A_368 {strides = array<i32>} : memref<16x128xf32, #tpu.memory_space<vmem>>, vector<1x16xf32>,
    %broadcast_in_dim3A_369 = arith.constant 0.000000e+00 : f32
    %broadcast_in_dim3A_370 = vector.broadcast %broadcast_in_dim3A_369 : f32 to vector<16xf32>
    %swap3A_371 = arith.constant 5 : i32
    %swap3A_372 = arith.index_cast %swap3A_371 : i32 to index
    %swap3A_373 = arith.constant 96 : index
    %swap3A_374 = tpu.vector_load %arg10[%swap3A_372, %swap3A_373] {strides = array<i32>} : memref<16x128xf32, #tpu.memory_space<vmem>>, vector<1x16xf32>,
    %swap3A_375 = vector.shape_cast %swap3A_374 : vector<1x16xf32> to vector<16xf32>
    %swap3A_376 = vector.shape_cast %broadcast_in_dim3A_370 : vector<16xf32> to vector<1x16xf32>
    tpu.vector_store %arg10[%swap3A_372, %swap3A_373], %swap3A_376 {strides = array<i32>} : memref<16x128xf32, #tpu.memory_space<vmem>>, vector<1x16xf32>,
    %broadcast_in_dim3A_377 = arith.constant 0.000000e+00 : f32
    %broadcast_in_dim3A_378 = vector.broadcast %broadcast_in_dim3A_377 : f32 to vector<16xf32>
    %swap3A_379 = arith.constant 5 : i32
    %swap3A_380 = arith.index_cast %swap3A_379 : i32 to index
    %swap3A_381 = arith.constant 112 : index
    %swap3A_382 = tpu.vector_load %arg10[%swap3A_380, %swap3A_381] {strides = array<i32>} : memref<16x128xf32, #tpu.memory_space<vmem>>, vector<1x16xf32>,
    %swap3A_383 = vector.shape_cast %swap3A_382 : vector<1x16xf32> to vector<16xf32>
    %swap3A_384 = vector.shape_cast %broadcast_in_dim3A_378 : vector<16xf32> to vector<1x16xf32>
    tpu.vector_store %arg10[%swap3A_380, %swap3A_381], %swap3A_384 {strides = array<i32>} : memref<16x128xf32, #tpu.memory_space<vmem>>, vector<1x16xf32>,
    %broadcast_in_dim3A_385 = arith.constant 0.000000e+00 : f32
    %broadcast_in_dim3A_386 = vector.broadcast %broadcast_in_dim3A_385 : f32 to vector<16xf32>
    %swap3A_387 = arith.constant 6 : i32
    %swap3A_388 = arith.index_cast %swap3A_387 : i32 to index
    %swap3A_389 = arith.constant 0 : index
    %swap3A_390 = tpu.vector_load %arg10[%swap3A_388, %swap3A_389] {strides = array<i32>} : memref<16x128xf32, #tpu.memory_space<vmem>>, vector<1x16xf32>,
    %swap3A_391 = vector.shape_cast %swap3A_390 : vector<1x16xf32> to vector<16xf32>
    %swap3A_392 = vector.shape_cast %broadcast_in_dim3A_386 : vector<16xf32> to vector<1x16xf32>
    tpu.vector_store %arg10[%swap3A_388, %swap3A_389], %swap3A_392 {strides = array<i32>} : memref<16x128xf32, #tpu.memory_space<vmem>>, vector<1x16xf32>,
    %broadcast_in_dim3A_393 = arith.constant 0.000000e+00 : f32
    %broadcast_in_dim3A_394 = vector.broadcast %broadcast_in_dim3A_393 : f32 to vector<16xf32>
    %swap3A_395 = arith.constant 6 : i32
    %swap3A_396 = arith.index_cast %swap3A_395 : i32 to index
    %swap3A_397 = arith.constant 16 : index
    %swap3A_398 = tpu.vector_load %arg10[%swap3A_396, %swap3A_397] {strides = array<i32>} : memref<16x128xf32, #tpu.memory_space<vmem>>, vector<1x16xf32>,
    %swap3A_399 = vector.shape_cast %swap3A_398 : vector<1x16xf32> to vector<16xf32>
    %swap3A_400 = vector.shape_cast %broadcast_in_dim3A_394 : vector<16xf32> to vector<1x16xf32>
    tpu.vector_store %arg10[%swap3A_396, %swap3A_397], %swap3A_400 {strides = array<i32>} : memref<16x128xf32, #tpu.memory_space<vmem>>, vector<1x16xf32>,
    %broadcast_in_dim3A_401 = arith.constant 0.000000e+00 : f32
    %broadcast_in_dim3A_402 = vector.broadcast %broadcast_in_dim3A_401 : f32 to vector<16xf32>
    %swap3A_403 = arith.constant 6 : i32
    %swap3A_404 = arith.index_cast %swap3A_403 : i32 to index
    %swap3A_405 = arith.constant 32 : index
    %swap3A_406 = tpu.vector_load %arg10[%swap3A_404, %swap3A_405] {strides = array<i32>} : memref<16x128xf32, #tpu.memory_space<vmem>>, vector<1x16xf32>,
    %swap3A_407 = vector.shape_cast %swap3A_406 : vector<1x16xf32> to vector<16xf32>
    %swap3A_408 = vector.shape_cast %broadcast_in_dim3A_402 : vector<16xf32> to vector<1x16xf32>
    tpu.vector_store %arg10[%swap3A_404, %swap3A_405], %swap3A_408 {strides = array<i32>} : memref<16x128xf32, #tpu.memory_space<vmem>>, vector<1x16xf32>,
    %broadcast_in_dim3A_409 = arith.constant 0.000000e+00 : f32
    %broadcast_in_dim3A_410 = vector.broadcast %broadcast_in_dim3A_409 : f32 to vector<16xf32>
    %swap3A_411 = arith.constant 6 : i32
    %swap3A_412 = arith.index_cast %swap3A_411 : i32 to index
    %swap3A_413 = arith.constant 48 : index
    %swap3A_414 = tpu.vector_load %arg10[%swap3A_412, %swap3A_413] {strides = array<i32>} : memref<16x128xf32, #tpu.memory_space<vmem>>, vector<1x16xf32>,
    %swap3A_415 = vector.shape_cast %swap3A_414 : vector<1x16xf32> to vector<16xf32>
    %swap3A_416 = vector.shape_cast %broadcast_in_dim3A_410 : vector<16xf32> to vector<1x16xf32>
    tpu.vector_store %arg10[%swap3A_412, %swap3A_413], %swap3A_416 {strides = array<i32>} : memref<16x128xf32, #tpu.memory_space<vmem>>, vector<1x16xf32>,
    %broadcast_in_dim3A_417 = arith.constant 0.000000e+00 : f32
    %broadcast_in_dim3A_418 = vector.broadcast %broadcast_in_dim3A_417 : f32 to vector<16xf32>
    %swap3A_419 = arith.constant 6 : i32
    %swap3A_420 = arith.index_cast %swap3A_419 : i32 to index
    %swap3A_421 = arith.constant 64 : index
    %swap3A_422 = tpu.vector_load %arg10[%swap3A_420, %swap3A_421] {strides = array<i32>} : memref<16x128xf32, #tpu.memory_space<vmem>>, vector<1x16xf32>,
    %swap3A_423 = vector.shape_cast %swap3A_422 : vector<1x16xf32> to vector<16xf32>
    %swap3A_424 = vector.shape_cast %broadcast_in_dim3A_418 : vector<16xf32> to vector<1x16xf32>
    tpu.vector_store %arg10[%swap3A_420, %swap3A_421], %swap3A_424 {strides = array<i32>} : memref<16x128xf32, #tpu.memory_space<vmem>>, vector<1x16xf32>,
    %broadcast_in_dim3A_425 = arith.constant 0.000000e+00 : f32
    %broadcast_in_dim3A_426 = vector.broadcast %broadcast_in_dim3A_425 : f32 to vector<16xf32>
    %swap3A_427 = arith.constant 6 : i32
    %swap3A_428 = arith.index_cast %swap3A_427 : i32 to index
    %swap3A_429 = arith.constant 80 : index
    %swap3A_430 = tpu.vector_load %arg10[%swap3A_428, %swap3A_429] {strides = array<i32>} : memref<16x128xf32, #tpu.memory_space<vmem>>, vector<1x16xf32>,
    %swap3A_431 = vector.shape_cast %swap3A_430 : vector<1x16xf32> to vector<16xf32>
    %swap3A_432 = vector.shape_cast %broadcast_in_dim3A_426 : vector<16xf32> to vector<1x16xf32>
    tpu.vector_store %arg10[%swap3A_428, %swap3A_429], %swap3A_432 {strides = array<i32>} : memref<16x128xf32, #tpu.memory_space<vmem>>, vector<1x16xf32>,
    %broadcast_in_dim3A_433 = arith.constant 0.000000e+00 : f32
    %broadcast_in_dim3A_434 = vector.broadcast %broadcast_in_dim3A_433 : f32 to vector<16xf32>
    %swap3A_435 = arith.constant 6 : i32
    %swap3A_436 = arith.index_cast %swap3A_435 : i32 to index
    %swap3A_437 = arith.constant 96 : index
    %swap3A_438 = tpu.vector_load %arg10[%swap3A_436, %swap3A_437] {strides = array<i32>} : memref<16x128xf32, #tpu.memory_space<vmem>>, vector<1x16xf32>,
    %swap3A_439 = vector.shape_cast %swap3A_438 : vector<1x16xf32> to vector<16xf32>
    %swap3A_440 = vector.shape_cast %broadcast_in_dim3A_434 : vector<16xf32> to vector<1x16xf32>
    tpu.vector_store %arg10[%swap3A_436, %swap3A_437], %swap3A_440 {strides = array<i32>} : memref<16x128xf32, #tpu.memory_space<vmem>>, vector<1x16xf32>,
    %broadcast_in_dim3A_441 = arith.constant 0.000000e+00 : f32
    %broadcast_in_dim3A_442 = vector.broadcast %broadcast_in_dim3A_441 : f32 to vector<16xf32>
    %swap3A_443 = arith.constant 6 : i32
    %swap3A_444 = arith.index_cast %swap3A_443 : i32 to index
    %swap3A_445 = arith.constant 112 : index
    %swap3A_446 = tpu.vector_load %arg10[%swap3A_444, %swap3A_445] {strides = array<i32>} : memref<16x128xf32, #tpu.memory_space<vmem>>, vector<1x16xf32>,
    %swap3A_447 = vector.shape_cast %swap3A_446 : vector<1x16xf32> to vector<16xf32>
    %swap3A_448 = vector.shape_cast %broadcast_in_dim3A_442 : vector<16xf32> to vector<1x16xf32>
    tpu.vector_store %arg10[%swap3A_444, %swap3A_445], %swap3A_448 {strides = array<i32>} : memref<16x128xf32, #tpu.memory_space<vmem>>, vector<1x16xf32>,
    %broadcast_in_dim3A_449 = arith.constant 0.000000e+00 : f32
    %broadcast_in_dim3A_450 = vector.broadcast %broadcast_in_dim3A_449 : f32 to vector<16xf32>
    %swap3A_451 = arith.constant 7 : i32
    %swap3A_452 = arith.index_cast %swap3A_451 : i32 to index
    %swap3A_453 = arith.constant 0 : index
    %swap3A_454 = tpu.vector_load %arg10[%swap3A_452, %swap3A_453] {strides = array<i32>} : memref<16x128xf32, #tpu.memory_space<vmem>>, vector<1x16xf32>,
    %swap3A_455 = vector.shape_cast %swap3A_454 : vector<1x16xf32> to vector<16xf32>
    %swap3A_456 = vector.shape_cast %broadcast_in_dim3A_450 : vector<16xf32> to vector<1x16xf32>
    tpu.vector_store %arg10[%swap3A_452, %swap3A_453], %swap3A_456 {strides = array<i32>} : memref<16x128xf32, #tpu.memory_space<vmem>>, vector<1x16xf32>,
    %broadcast_in_dim3A_457 = arith.constant 0.000000e+00 : f32
    %broadcast_in_dim3A_458 = vector.broadcast %broadcast_in_dim3A_457 : f32 to vector<16xf32>
    %swap3A_459 = arith.constant 7 : i32
    %swap3A_460 = arith.index_cast %swap3A_459 : i32 to index
    %swap3A_461 = arith.constant 16 : index
    %swap3A_462 = tpu.vector_load %arg10[%swap3A_460, %swap3A_461] {strides = array<i32>} : memref<16x128xf32, #tpu.memory_space<vmem>>, vector<1x16xf32>,
    %swap3A_463 = vector.shape_cast %swap3A_462 : vector<1x16xf32> to vector<16xf32>
    %swap3A_464 = vector.shape_cast %broadcast_in_dim3A_458 : vector<16xf32> to vector<1x16xf32>
    tpu.vector_store %arg10[%swap3A_460, %swap3A_461], %swap3A_464 {strides = array<i32>} : memref<16x128xf32, #tpu.memory_space<vmem>>, vector<1x16xf32>,
    %broadcast_in_dim3A_465 = arith.constant 0.000000e+00 : f32
    %broadcast_in_dim3A_466 = vector.broadcast %broadcast_in_dim3A_465 : f32 to vector<16xf32>
    %swap3A_467 = arith.constant 7 : i32
    %swap3A_468 = arith.index_cast %swap3A_467 : i32 to index
    %swap3A_469 = arith.constant 32 : index
    %swap3A_470 = tpu.vector_load %arg10[%swap3A_468, %swap3A_469] {strides = array<i32>} : memref<16x128xf32, #tpu.memory_space<vmem>>, vector<1x16xf32>,
    %swap3A_471 = vector.shape_cast %swap3A_470 : vector<1x16xf32> to vector<16xf32>
    %swap3A_472 = vector.shape_cast %broadcast_in_dim3A_466 : vector<16xf32> to vector<1x16xf32>
    tpu.vector_store %arg10[%swap3A_468, %swap3A_469], %swap3A_472 {strides = array<i32>} : memref<16x128xf32, #tpu.memory_space<vmem>>, vector<1x16xf32>,
    %broadcast_in_dim3A_473 = arith.constant 0.000000e+00 : f32
    %broadcast_in_dim3A_474 = vector.broadcast %broadcast_in_dim3A_473 : f32 to vector<16xf32>
    %swap3A_475 = arith.constant 7 : i32
    %swap3A_476 = arith.index_cast %swap3A_475 : i32 to index
    %swap3A_477 = arith.constant 48 : index
    %swap3A_478 = tpu.vector_load %arg10[%swap3A_476, %swap3A_477] {strides = array<i32>} : memref<16x128xf32, #tpu.memory_space<vmem>>, vector<1x16xf32>,
    %swap3A_479 = vector.shape_cast %swap3A_478 : vector<1x16xf32> to vector<16xf32>
    %swap3A_480 = vector.shape_cast %broadcast_in_dim3A_474 : vector<16xf32> to vector<1x16xf32>
    tpu.vector_store %arg10[%swap3A_476, %swap3A_477], %swap3A_480 {strides = array<i32>} : memref<16x128xf32, #tpu.memory_space<vmem>>, vector<1x16xf32>,
    %broadcast_in_dim3A_481 = arith.constant 0.000000e+00 : f32
    %broadcast_in_dim3A_482 = vector.broadcast %broadcast_in_dim3A_481 : f32 to vector<16xf32>
    %swap3A_483 = arith.constant 7 : i32
    %swap3A_484 = arith.index_cast %swap3A_483 : i32 to index
    %swap3A_485 = arith.constant 64 : index
    %swap3A_486 = tpu.vector_load %arg10[%swap3A_484, %swap3A_485] {strides = array<i32>} : memref<16x128xf32, #tpu.memory_space<vmem>>, vector<1x16xf32>,
    %swap3A_487 = vector.shape_cast %swap3A_486 : vector<1x16xf32> to vector<16xf32>
    %swap3A_488 = vector.shape_cast %broadcast_in_dim3A_482 : vector<16xf32> to vector<1x16xf32>
    tpu.vector_store %arg10[%swap3A_484, %swap3A_485], %swap3A_488 {strides = array<i32>} : memref<16x128xf32, #tpu.memory_space<vmem>>, vector<1x16xf32>,
    %broadcast_in_dim3A_489 = arith.constant 0.000000e+00 : f32
    %broadcast_in_dim3A_490 = vector.broadcast %broadcast_in_dim3A_489 : f32 to vector<16xf32>
    %swap3A_491 = arith.constant 7 : i32
    %swap3A_492 = arith.index_cast %swap3A_491 : i32 to index
    %swap3A_493 = arith.constant 80 : index
    %swap3A_494 = tpu.vector_load %arg10[%swap3A_492, %swap3A_493] {strides = array<i32>} : memref<16x128xf32, #tpu.memory_space<vmem>>, vector<1x16xf32>,
    %swap3A_495 = vector.shape_cast %swap3A_494 : vector<1x16xf32> to vector<16xf32>
    %swap3A_496 = vector.shape_cast %broadcast_in_dim3A_490 : vector<16xf32> to vector<1x16xf32>
    tpu.vector_store %arg10[%swap3A_492, %swap3A_493], %swap3A_496 {strides = array<i32>} : memref<16x128xf32, #tpu.memory_space<vmem>>, vector<1x16xf32>,
    %broadcast_in_dim3A_497 = arith.constant 0.000000e+00 : f32
    %broadcast_in_dim3A_498 = vector.broadcast %broadcast_in_dim3A_497 : f32 to vector<16xf32>
    %swap3A_499 = arith.constant 7 : i32
    %swap3A_500 = arith.index_cast %swap3A_499 : i32 to index
    %swap3A_501 = arith.constant 96 : index
    %swap3A_502 = tpu.vector_load %arg10[%swap3A_500, %swap3A_501] {strides = array<i32>} : memref<16x128xf32, #tpu.memory_space<vmem>>, vector<1x16xf32>,
    %swap3A_503 = vector.shape_cast %swap3A_502 : vector<1x16xf32> to vector<16xf32>
    %swap3A_504 = vector.shape_cast %broadcast_in_dim3A_498 : vector<16xf32> to vector<1x16xf32>
    tpu.vector_store %arg10[%swap3A_500, %swap3A_501], %swap3A_504 {strides = array<i32>} : memref<16x128xf32, #tpu.memory_space<vmem>>, vector<1x16xf32>,
    %broadcast_in_dim3A_505 = arith.constant 0.000000e+00 : f32
    %broadcast_in_dim3A_506 = vector.broadcast %broadcast_in_dim3A_505 : f32 to vector<16xf32>
    %swap3A_507 = arith.constant 7 : i32
    %swap3A_508 = arith.index_cast %swap3A_507 : i32 to index
    %swap3A_509 = arith.constant 112 : index
    %swap3A_510 = tpu.vector_load %arg10[%swap3A_508, %swap3A_509] {strides = array<i32>} : memref<16x128xf32, #tpu.memory_space<vmem>>, vector<1x16xf32>,
    %swap3A_511 = vector.shape_cast %swap3A_510 : vector<1x16xf32> to vector<16xf32>
    %swap3A_512 = vector.shape_cast %broadcast_in_dim3A_506 : vector<16xf32> to vector<1x16xf32>
    tpu.vector_store %arg10[%swap3A_508, %swap3A_509], %swap3A_512 {strides = array<i32>} : memref<16x128xf32, #tpu.memory_space<vmem>>, vector<1x16xf32>,
    %broadcast_in_dim3A_513 = arith.constant 0.000000e+00 : f32
    %broadcast_in_dim3A_514 = vector.broadcast %broadcast_in_dim3A_513 : f32 to vector<16xf32>
    %swap3A_515 = arith.constant 8 : i32
    %swap3A_516 = arith.index_cast %swap3A_515 : i32 to index
    %swap3A_517 = arith.constant 0 : index
    %swap3A_518 = tpu.vector_load %arg10[%swap3A_516, %swap3A_517] {strides = array<i32>} : memref<16x128xf32, #tpu.memory_space<vmem>>, vector<1x16xf32>,
    %swap3A_519 = vector.shape_cast %swap3A_518 : vector<1x16xf32> to vector<16xf32>
    %swap3A_520 = vector.shape_cast %broadcast_in_dim3A_514 : vector<16xf32> to vector<1x16xf32>
    tpu.vector_store %arg10[%swap3A_516, %swap3A_517], %swap3A_520 {strides = array<i32>} : memref<16x128xf32, #tpu.memory_space<vmem>>, vector<1x16xf32>,
    %broadcast_in_dim3A_521 = arith.constant 0.000000e+00 : f32
    %broadcast_in_dim3A_522 = vector.broadcast %broadcast_in_dim3A_521 : f32 to vector<16xf32>
    %swap3A_523 = arith.constant 8 : i32
    %swap3A_524 = arith.index_cast %swap3A_523 : i32 to index
    %swap3A_525 = arith.constant 16 : index
    %swap3A_526 = tpu.vector_load %arg10[%swap3A_524, %swap3A_525] {strides = array<i32>} : memref<16x128xf32, #tpu.memory_space<vmem>>, vector<1x16xf32>,
    %swap3A_527 = vector.shape_cast %swap3A_526 : vector<1x16xf32> to vector<16xf32>
    %swap3A_528 = vector.shape_cast %broadcast_in_dim3A_522 : vector<16xf32> to vector<1x16xf32>
    tpu.vector_store %arg10[%swap3A_524, %swap3A_525], %swap3A_528 {strides = array<i32>} : memref<16x128xf32, #tpu.memory_space<vmem>>, vector<1x16xf32>,
    %broadcast_in_dim3A_529 = arith.constant 0.000000e+00 : f32
    %broadcast_in_dim3A_530 = vector.broadcast %broadcast_in_dim3A_529 : f32 to vector<16xf32>
    %swap3A_531 = arith.constant 8 : i32
    %swap3A_532 = arith.index_cast %swap3A_531 : i32 to index
    %swap3A_533 = arith.constant 32 : index
    %swap3A_534 = tpu.vector_load %arg10[%swap3A_532, %swap3A_533] {strides = array<i32>} : memref<16x128xf32, #tpu.memory_space<vmem>>, vector<1x16xf32>,
    %swap3A_535 = vector.shape_cast %swap3A_534 : vector<1x16xf32> to vector<16xf32>
    %swap3A_536 = vector.shape_cast %broadcast_in_dim3A_530 : vector<16xf32> to vector<1x16xf32>
    tpu.vector_store %arg10[%swap3A_532, %swap3A_533], %swap3A_536 {strides = array<i32>} : memref<16x128xf32, #tpu.memory_space<vmem>>, vector<1x16xf32>,
    %broadcast_in_dim3A_537 = arith.constant 0.000000e+00 : f32
    %broadcast_in_dim3A_538 = vector.broadcast %broadcast_in_dim3A_537 : f32 to vector<16xf32>
    %swap3A_539 = arith.constant 8 : i32
    %swap3A_540 = arith.index_cast %swap3A_539 : i32 to index
    %swap3A_541 = arith.constant 48 : index
    %swap3A_542 = tpu.vector_load %arg10[%swap3A_540, %swap3A_541] {strides = array<i32>} : memref<16x128xf32, #tpu.memory_space<vmem>>, vector<1x16xf32>,
    %swap3A_543 = vector.shape_cast %swap3A_542 : vector<1x16xf32> to vector<16xf32>
    %swap3A_544 = vector.shape_cast %broadcast_in_dim3A_538 : vector<16xf32> to vector<1x16xf32>
    tpu.vector_store %arg10[%swap3A_540, %swap3A_541], %swap3A_544 {strides = array<i32>} : memref<16x128xf32, #tpu.memory_space<vmem>>, vector<1x16xf32>,
    %broadcast_in_dim3A_545 = arith.constant 0.000000e+00 : f32
    %broadcast_in_dim3A_546 = vector.broadcast %broadcast_in_dim3A_545 : f32 to vector<16xf32>
    %swap3A_547 = arith.constant 8 : i32
    %swap3A_548 = arith.index_cast %swap3A_547 : i32 to index
    %swap3A_549 = arith.constant 64 : index
    %swap3A_550 = tpu.vector_load %arg10[%swap3A_548, %swap3A_549] {strides = array<i32>} : memref<16x128xf32, #tpu.memory_space<vmem>>, vector<1x16xf32>,
    %swap3A_551 = vector.shape_cast %swap3A_550 : vector<1x16xf32> to vector<16xf32>
    %swap3A_552 = vector.shape_cast %broadcast_in_dim3A_546 : vector<16xf32> to vector<1x16xf32>
    tpu.vector_store %arg10[%swap3A_548, %swap3A_549], %swap3A_552 {strides = array<i32>} : memref<16x128xf32, #tpu.memory_space<vmem>>, vector<1x16xf32>,
    %broadcast_in_dim3A_553 = arith.constant 0.000000e+00 : f32
    %broadcast_in_dim3A_554 = vector.broadcast %broadcast_in_dim3A_553 : f32 to vector<16xf32>
    %swap3A_555 = arith.constant 8 : i32
    %swap3A_556 = arith.index_cast %swap3A_555 : i32 to index
    %swap3A_557 = arith.constant 80 : index
    %swap3A_558 = tpu.vector_load %arg10[%swap3A_556, %swap3A_557] {strides = array<i32>} : memref<16x128xf32, #tpu.memory_space<vmem>>, vector<1x16xf32>,
    %swap3A_559 = vector.shape_cast %swap3A_558 : vector<1x16xf32> to vector<16xf32>
    %swap3A_560 = vector.shape_cast %broadcast_in_dim3A_554 : vector<16xf32> to vector<1x16xf32>
    tpu.vector_store %arg10[%swap3A_556, %swap3A_557], %swap3A_560 {strides = array<i32>} : memref<16x128xf32, #tpu.memory_space<vmem>>, vector<1x16xf32>,
    %broadcast_in_dim3A_561 = arith.constant 0.000000e+00 : f32
    %broadcast_in_dim3A_562 = vector.broadcast %broadcast_in_dim3A_561 : f32 to vector<16xf32>
    %swap3A_563 = arith.constant 8 : i32
    %swap3A_564 = arith.index_cast %swap3A_563 : i32 to index
    %swap3A_565 = arith.constant 96 : index
    %swap3A_566 = tpu.vector_load %arg10[%swap3A_564, %swap3A_565] {strides = array<i32>} : memref<16x128xf32, #tpu.memory_space<vmem>>, vector<1x16xf32>,
    %swap3A_567 = vector.shape_cast %swap3A_566 : vector<1x16xf32> to vector<16xf32>
    %swap3A_568 = vector.shape_cast %broadcast_in_dim3A_562 : vector<16xf32> to vector<1x16xf32>
    tpu.vector_store %arg10[%swap3A_564, %swap3A_565], %swap3A_568 {strides = array<i32>} : memref<16x128xf32, #tpu.memory_space<vmem>>, vector<1x16xf32>,
    %broadcast_in_dim3A_569 = arith.constant 0.000000e+00 : f32
    %broadcast_in_dim3A_570 = vector.broadcast %broadcast_in_dim3A_569 : f32 to vector<16xf32>
    %swap3A_571 = arith.constant 8 : i32
    %swap3A_572 = arith.index_cast %swap3A_571 : i32 to index
    %swap3A_573 = arith.constant 112 : index
    %swap3A_574 = tpu.vector_load %arg10[%swap3A_572, %swap3A_573] {strides = array<i32>} : memref<16x128xf32, #tpu.memory_space<vmem>>, vector<1x16xf32>,
    %swap3A_575 = vector.shape_cast %swap3A_574 : vector<1x16xf32> to vector<16xf32>
    %swap3A_576 = vector.shape_cast %broadcast_in_dim3A_570 : vector<16xf32> to vector<1x16xf32>
    tpu.vector_store %arg10[%swap3A_572, %swap3A_573], %swap3A_576 {strides = array<i32>} : memref<16x128xf32, #tpu.memory_space<vmem>>, vector<1x16xf32>,
    %broadcast_in_dim3A_577 = arith.constant 0.000000e+00 : f32
    %broadcast_in_dim3A_578 = vector.broadcast %broadcast_in_dim3A_577 : f32 to vector<16xf32>
    %swap3A_579 = arith.constant 9 : i32
    %swap3A_580 = arith.index_cast %swap3A_579 : i32 to index
    %swap3A_581 = arith.constant 0 : index
    %swap3A_582 = tpu.vector_load %arg10[%swap3A_580, %swap3A_581] {strides = array<i32>} : memref<16x128xf32, #tpu.memory_space<vmem>>, vector<1x16xf32>,
    %swap3A_583 = vector.shape_cast %swap3A_582 : vector<1x16xf32> to vector<16xf32>
    %swap3A_584 = vector.shape_cast %broadcast_in_dim3A_578 : vector<16xf32> to vector<1x16xf32>
    tpu.vector_store %arg10[%swap3A_580, %swap3A_581], %swap3A_584 {strides = array<i32>} : memref<16x128xf32, #tpu.memory_space<vmem>>, vector<1x16xf32>,
    %broadcast_in_dim3A_585 = arith.constant 0.000000e+00 : f32
    %broadcast_in_dim3A_586 = vector.broadcast %broadcast_in_dim3A_585 : f32 to vector<16xf32>
    %swap3A_587 = arith.constant 9 : i32
    %swap3A_588 = arith.index_cast %swap3A_587 : i32 to index
    %swap3A_589 = arith.constant 16 : index
    %swap3A_590 = tpu.vector_load %arg10[%swap3A_588, %swap3A_589] {strides = array<i32>} : memref<16x128xf32, #tpu.memory_space<vmem>>, vector<1x16xf32>,
    %swap3A_591 = vector.shape_cast %swap3A_590 : vector<1x16xf32> to vector<16xf32>
    %swap3A_592 = vector.shape_cast %broadcast_in_dim3A_586 : vector<16xf32> to vector<1x16xf32>
    tpu.vector_store %arg10[%swap3A_588, %swap3A_589], %swap3A_592 {strides = array<i32>} : memref<16x128xf32, #tpu.memory_space<vmem>>, vector<1x16xf32>,
    %broadcast_in_dim3A_593 = arith.constant 0.000000e+00 : f32
    %broadcast_in_dim3A_594 = vector.broadcast %broadcast_in_dim3A_593 : f32 to vector<16xf32>
    %swap3A_595 = arith.constant 9 : i32
    %swap3A_596 = arith.index_cast %swap3A_595 : i32 to index
    %swap3A_597 = arith.constant 32 : index
    %swap3A_598 = tpu.vector_load %arg10[%swap3A_596, %swap3A_597] {strides = array<i32>} : memref<16x128xf32, #tpu.memory_space<vmem>>, vector<1x16xf32>,
    %swap3A_599 = vector.shape_cast %swap3A_598 : vector<1x16xf32> to vector<16xf32>
    %swap3A_600 = vector.shape_cast %broadcast_in_dim3A_594 : vector<16xf32> to vector<1x16xf32>
    tpu.vector_store %arg10[%swap3A_596, %swap3A_597], %swap3A_600 {strides = array<i32>} : memref<16x128xf32, #tpu.memory_space<vmem>>, vector<1x16xf32>,
    %broadcast_in_dim3A_601 = arith.constant 0.000000e+00 : f32
    %broadcast_in_dim3A_602 = vector.broadcast %broadcast_in_dim3A_601 : f32 to vector<16xf32>
    %swap3A_603 = arith.constant 9 : i32
    %swap3A_604 = arith.index_cast %swap3A_603 : i32 to index
    %swap3A_605 = arith.constant 48 : index
    %swap3A_606 = tpu.vector_load %arg10[%swap3A_604, %swap3A_605] {strides = array<i32>} : memref<16x128xf32, #tpu.memory_space<vmem>>, vector<1x16xf32>,
    %swap3A_607 = vector.shape_cast %swap3A_606 : vector<1x16xf32> to vector<16xf32>
    %swap3A_608 = vector.shape_cast %broadcast_in_dim3A_602 : vector<16xf32> to vector<1x16xf32>
    tpu.vector_store %arg10[%swap3A_604, %swap3A_605], %swap3A_608 {strides = array<i32>} : memref<16x128xf32, #tpu.memory_space<vmem>>, vector<1x16xf32>,
    %broadcast_in_dim3A_609 = arith.constant 0.000000e+00 : f32
    %broadcast_in_dim3A_610 = vector.broadcast %broadcast_in_dim3A_609 : f32 to vector<16xf32>
    %swap3A_611 = arith.constant 9 : i32
    %swap3A_612 = arith.index_cast %swap3A_611 : i32 to index
    %swap3A_613 = arith.constant 64 : index
    %swap3A_614 = tpu.vector_load %arg10[%swap3A_612, %swap3A_613] {strides = array<i32>} : memref<16x128xf32, #tpu.memory_space<vmem>>, vector<1x16xf32>,
    %swap3A_615 = vector.shape_cast %swap3A_614 : vector<1x16xf32> to vector<16xf32>
    %swap3A_616 = vector.shape_cast %broadcast_in_dim3A_610 : vector<16xf32> to vector<1x16xf32>
    tpu.vector_store %arg10[%swap3A_612, %swap3A_613], %swap3A_616 {strides = array<i32>} : memref<16x128xf32, #tpu.memory_space<vmem>>, vector<1x16xf32>,
    %broadcast_in_dim3A_617 = arith.constant 0.000000e+00 : f32
    %broadcast_in_dim3A_618 = vector.broadcast %broadcast_in_dim3A_617 : f32 to vector<16xf32>
    %swap3A_619 = arith.constant 9 : i32
    %swap3A_620 = arith.index_cast %swap3A_619 : i32 to index
    %swap3A_621 = arith.constant 80 : index
    %swap3A_622 = tpu.vector_load %arg10[%swap3A_620, %swap3A_621] {strides = array<i32>} : memref<16x128xf32, #tpu.memory_space<vmem>>, vector<1x16xf32>,
    %swap3A_623 = vector.shape_cast %swap3A_622 : vector<1x16xf32> to vector<16xf32>
    %swap3A_624 = vector.shape_cast %broadcast_in_dim3A_618 : vector<16xf32> to vector<1x16xf32>
    tpu.vector_store %arg10[%swap3A_620, %swap3A_621], %swap3A_624 {strides = array<i32>} : memref<16x128xf32, #tpu.memory_space<vmem>>, vector<1x16xf32>,
    %broadcast_in_dim3A_625 = arith.constant 0.000000e+00 : f32
    %broadcast_in_dim3A_626 = vector.broadcast %broadcast_in_dim3A_625 : f32 to vector<16xf32>
    %swap3A_627 = arith.constant 9 : i32
    %swap3A_628 = arith.index_cast %swap3A_627 : i32 to index
    %swap3A_629 = arith.constant 96 : index
    %swap3A_630 = tpu.vector_load %arg10[%swap3A_628, %swap3A_629] {strides = array<i32>} : memref<16x128xf32, #tpu.memory_space<vmem>>, vector<1x16xf32>,
    %swap3A_631 = vector.shape_cast %swap3A_630 : vector<1x16xf32> to vector<16xf32>
    %swap3A_632 = vector.shape_cast %broadcast_in_dim3A_626 : vector<16xf32> to vector<1x16xf32>
    tpu.vector_store %arg10[%swap3A_628, %swap3A_629], %swap3A_632 {strides = array<i32>} : memref<16x128xf32, #tpu.memory_space<vmem>>, vector<1x16xf32>,
    %broadcast_in_dim3A_633 = arith.constant 0.000000e+00 : f32
    %broadcast_in_dim3A_634 = vector.broadcast %broadcast_in_dim3A_633 : f32 to vector<16xf32>
    %swap3A_635 = arith.constant 9 : i32
    %swap3A_636 = arith.index_cast %swap3A_635 : i32 to index
    %swap3A_637 = arith.constant 112 : index
    %swap3A_638 = tpu.vector_load %arg10[%swap3A_636, %swap3A_637] {strides = array<i32>} : memref<16x128xf32, #tpu.memory_space<vmem>>, vector<1x16xf32>,
    %swap3A_639 = vector.shape_cast %swap3A_638 : vector<1x16xf32> to vector<16xf32>
    %swap3A_640 = vector.shape_cast %broadcast_in_dim3A_634 : vector<16xf32> to vector<1x16xf32>
    tpu.vector_store %arg10[%swap3A_636, %swap3A_637], %swap3A_640 {strides = array<i32>} : memref<16x128xf32, #tpu.memory_space<vmem>>, vector<1x16xf32>,
    %broadcast_in_dim3A_641 = arith.constant 0.000000e+00 : f32
    %broadcast_in_dim3A_642 = vector.broadcast %broadcast_in_dim3A_641 : f32 to vector<16xf32>
    %swap3A_643 = arith.constant 10 : i32
    %swap3A_644 = arith.index_cast %swap3A_643 : i32 to index
    %swap3A_645 = arith.constant 0 : index
    %swap3A_646 = tpu.vector_load %arg10[%swap3A_644, %swap3A_645] {strides = array<i32>} : memref<16x128xf32, #tpu.memory_space<vmem>>, vector<1x16xf32>,
    %swap3A_647 = vector.shape_cast %swap3A_646 : vector<1x16xf32> to vector<16xf32>
    %swap3A_648 = vector.shape_cast %broadcast_in_dim3A_642 : vector<16xf32> to vector<1x16xf32>
    tpu.vector_store %arg10[%swap3A_644, %swap3A_645], %swap3A_648 {strides = array<i32>} : memref<16x128xf32, #tpu.memory_space<vmem>>, vector<1x16xf32>,
    %broadcast_in_dim3A_649 = arith.constant 0.000000e+00 : f32
    %broadcast_in_dim3A_650 = vector.broadcast %broadcast_in_dim3A_649 : f32 to vector<16xf32>
    %swap3A_651 = arith.constant 10 : i32
    %swap3A_652 = arith.index_cast %swap3A_651 : i32 to index
    %swap3A_653 = arith.constant 16 : index
    %swap3A_654 = tpu.vector_load %arg10[%swap3A_652, %swap3A_653] {strides = array<i32>} : memref<16x128xf32, #tpu.memory_space<vmem>>, vector<1x16xf32>,
    %swap3A_655 = vector.shape_cast %swap3A_654 : vector<1x16xf32> to vector<16xf32>
    %swap3A_656 = vector.shape_cast %broadcast_in_dim3A_650 : vector<16xf32> to vector<1x16xf32>
    tpu.vector_store %arg10[%swap3A_652, %swap3A_653], %swap3A_656 {strides = array<i32>} : memref<16x128xf32, #tpu.memory_space<vmem>>, vector<1x16xf32>,
    %broadcast_in_dim3A_657 = arith.constant 0.000000e+00 : f32
    %broadcast_in_dim3A_658 = vector.broadcast %broadcast_in_dim3A_657 : f32 to vector<16xf32>
    %swap3A_659 = arith.constant 10 : i32
    %swap3A_660 = arith.index_cast %swap3A_659 : i32 to index
    %swap3A_661 = arith.constant 32 : index
    %swap3A_662 = tpu.vector_load %arg10[%swap3A_660, %swap3A_661] {strides = array<i32>} : memref<16x128xf32, #tpu.memory_space<vmem>>, vector<1x16xf32>,
    %swap3A_663 = vector.shape_cast %swap3A_662 : vector<1x16xf32> to vector<16xf32>
    %swap3A_664 = vector.shape_cast %broadcast_in_dim3A_658 : vector<16xf32> to vector<1x16xf32>
    tpu.vector_store %arg10[%swap3A_660, %swap3A_661], %swap3A_664 {strides = array<i32>} : memref<16x128xf32, #tpu.memory_space<vmem>>, vector<1x16xf32>,
    %broadcast_in_dim3A_665 = arith.constant 0.000000e+00 : f32
    %broadcast_in_dim3A_666 = vector.broadcast %broadcast_in_dim3A_665 : f32 to vector<16xf32>
    %swap3A_667 = arith.constant 10 : i32
    %swap3A_668 = arith.index_cast %swap3A_667 : i32 to index
    %swap3A_669 = arith.constant 48 : index
    %swap3A_670 = tpu.vector_load %arg10[%swap3A_668, %swap3A_669] {strides = array<i32>} : memref<16x128xf32, #tpu.memory_space<vmem>>, vector<1x16xf32>,
    %swap3A_671 = vector.shape_cast %swap3A_670 : vector<1x16xf32> to vector<16xf32>
    %swap3A_672 = vector.shape_cast %broadcast_in_dim3A_666 : vector<16xf32> to vector<1x16xf32>
    tpu.vector_store %arg10[%swap3A_668, %swap3A_669], %swap3A_672 {strides = array<i32>} : memref<16x128xf32, #tpu.memory_space<vmem>>, vector<1x16xf32>,
    %broadcast_in_dim3A_673 = arith.constant 0.000000e+00 : f32
    %broadcast_in_dim3A_674 = vector.broadcast %broadcast_in_dim3A_673 : f32 to vector<16xf32>
    %swap3A_675 = arith.constant 10 : i32
    %swap3A_676 = arith.index_cast %swap3A_675 : i32 to index
    %swap3A_677 = arith.constant 64 : index
    %swap3A_678 = tpu.vector_load %arg10[%swap3A_676, %swap3A_677] {strides = array<i32>} : memref<16x128xf32, #tpu.memory_space<vmem>>, vector<1x16xf32>,
    %swap3A_679 = vector.shape_cast %swap3A_678 : vector<1x16xf32> to vector<16xf32>
    %swap3A_680 = vector.shape_cast %broadcast_in_dim3A_674 : vector<16xf32> to vector<1x16xf32>
    tpu.vector_store %arg10[%swap3A_676, %swap3A_677], %swap3A_680 {strides = array<i32>} : memref<16x128xf32, #tpu.memory_space<vmem>>, vector<1x16xf32>,
    %broadcast_in_dim3A_681 = arith.constant 0.000000e+00 : f32
    %broadcast_in_dim3A_682 = vector.broadcast %broadcast_in_dim3A_681 : f32 to vector<16xf32>
    %swap3A_683 = arith.constant 10 : i32
    %swap3A_684 = arith.index_cast %swap3A_683 : i32 to index
    %swap3A_685 = arith.constant 80 : index
    %swap3A_686 = tpu.vector_load %arg10[%swap3A_684, %swap3A_685] {strides = array<i32>} : memref<16x128xf32, #tpu.memory_space<vmem>>, vector<1x16xf32>,
    %swap3A_687 = vector.shape_cast %swap3A_686 : vector<1x16xf32> to vector<16xf32>
    %swap3A_688 = vector.shape_cast %broadcast_in_dim3A_682 : vector<16xf32> to vector<1x16xf32>
    tpu.vector_store %arg10[%swap3A_684, %swap3A_685], %swap3A_688 {strides = array<i32>} : memref<16x128xf32, #tpu.memory_space<vmem>>, vector<1x16xf32>,
    %broadcast_in_dim3A_689 = arith.constant 0.000000e+00 : f32
    %broadcast_in_dim3A_690 = vector.broadcast %broadcast_in_dim3A_689 : f32 to vector<16xf32>
    %swap3A_691 = arith.constant 10 : i32
    %swap3A_692 = arith.index_cast %swap3A_691 : i32 to index
    %swap3A_693 = arith.constant 96 : index
    %swap3A_694 = tpu.vector_load %arg10[%swap3A_692, %swap3A_693] {strides = array<i32>} : memref<16x128xf32, #tpu.memory_space<vmem>>, vector<1x16xf32>,
    %swap3A_695 = vector.shape_cast %swap3A_694 : vector<1x16xf32> to vector<16xf32>
    %swap3A_696 = vector.shape_cast %broadcast_in_dim3A_690 : vector<16xf32> to vector<1x16xf32>
    tpu.vector_store %arg10[%swap3A_692, %swap3A_693], %swap3A_696 {strides = array<i32>} : memref<16x128xf32, #tpu.memory_space<vmem>>, vector<1x16xf32>,
    %broadcast_in_dim3A_697 = arith.constant 0.000000e+00 : f32
    %broadcast_in_dim3A_698 = vector.broadcast %broadcast_in_dim3A_697 : f32 to vector<16xf32>
    %swap3A_699 = arith.constant 10 : i32
    %swap3A_700 = arith.index_cast %swap3A_699 : i32 to index
    %swap3A_701 = arith.constant 112 : index
    %swap3A_702 = tpu.vector_load %arg10[%swap3A_700, %swap3A_701] {strides = array<i32>} : memref<16x128xf32, #tpu.memory_space<vmem>>, vector<1x16xf32>,
    %swap3A_703 = vector.shape_cast %swap3A_702 : vector<1x16xf32> to vector<16xf32>
    %swap3A_704 = vector.shape_cast %broadcast_in_dim3A_698 : vector<16xf32> to vector<1x16xf32>
    tpu.vector_store %arg10[%swap3A_700, %swap3A_701], %swap3A_704 {strides = array<i32>} : memref<16x128xf32, #tpu.memory_space<vmem>>, vector<1x16xf32>,
    %broadcast_in_dim3A_705 = arith.constant 0.000000e+00 : f32
    %broadcast_in_dim3A_706 = vector.broadcast %broadcast_in_dim3A_705 : f32 to vector<16xf32>
    %swap3A_707 = arith.constant 11 : i32
    %swap3A_708 = arith.index_cast %swap3A_707 : i32 to index
    %swap3A_709 = arith.constant 0 : index
    %swap3A_710 = tpu.vector_load %arg10[%swap3A_708, %swap3A_709] {strides = array<i32>} : memref<16x128xf32, #tpu.memory_space<vmem>>, vector<1x16xf32>,
    %swap3A_711 = vector.shape_cast %swap3A_710 : vector<1x16xf32> to vector<16xf32>
    %swap3A_712 = vector.shape_cast %broadcast_in_dim3A_706 : vector<16xf32> to vector<1x16xf32>
    tpu.vector_store %arg10[%swap3A_708, %swap3A_709], %swap3A_712 {strides = array<i32>} : memref<16x128xf32, #tpu.memory_space<vmem>>, vector<1x16xf32>,
    %broadcast_in_dim3A_713 = arith.constant 0.000000e+00 : f32
    %broadcast_in_dim3A_714 = vector.broadcast %broadcast_in_dim3A_713 : f32 to vector<16xf32>
    %swap3A_715 = arith.constant 11 : i32
    %swap3A_716 = arith.index_cast %swap3A_715 : i32 to index
    %swap3A_717 = arith.constant 16 : index
    %swap3A_718 = tpu.vector_load %arg10[%swap3A_716, %swap3A_717] {strides = array<i32>} : memref<16x128xf32, #tpu.memory_space<vmem>>, vector<1x16xf32>,
    %swap3A_719 = vector.shape_cast %swap3A_718 : vector<1x16xf32> to vector<16xf32>
    %swap3A_720 = vector.shape_cast %broadcast_in_dim3A_714 : vector<16xf32> to vector<1x16xf32>
    tpu.vector_store %arg10[%swap3A_716, %swap3A_717], %swap3A_720 {strides = array<i32>} : memref<16x128xf32, #tpu.memory_space<vmem>>, vector<1x16xf32>,
    %broadcast_in_dim3A_721 = arith.constant 0.000000e+00 : f32
    %broadcast_in_dim3A_722 = vector.broadcast %broadcast_in_dim3A_721 : f32 to vector<16xf32>
    %swap3A_723 = arith.constant 11 : i32
    %swap3A_724 = arith.index_cast %swap3A_723 : i32 to index
    %swap3A_725 = arith.constant 32 : index
    %swap3A_726 = tpu.vector_load %arg10[%swap3A_724, %swap3A_725] {strides = array<i32>} : memref<16x128xf32, #tpu.memory_space<vmem>>, vector<1x16xf32>,
    %swap3A_727 = vector.shape_cast %swap3A_726 : vector<1x16xf32> to vector<16xf32>
    %swap3A_728 = vector.shape_cast %broadcast_in_dim3A_722 : vector<16xf32> to vector<1x16xf32>
    tpu.vector_store %arg10[%swap3A_724, %swap3A_725], %swap3A_728 {strides = array<i32>} : memref<16x128xf32, #tpu.memory_space<vmem>>, vector<1x16xf32>,
    %broadcast_in_dim3A_729 = arith.constant 0.000000e+00 : f32
    %broadcast_in_dim3A_730 = vector.broadcast %broadcast_in_dim3A_729 : f32 to vector<16xf32>
    %swap3A_731 = arith.constant 11 : i32
    %swap3A_732 = arith.index_cast %swap3A_731 : i32 to index
    %swap3A_733 = arith.constant 48 : index
    %swap3A_734 = tpu.vector_load %arg10[%swap3A_732, %swap3A_733] {strides = array<i32>} : memref<16x128xf32, #tpu.memory_space<vmem>>, vector<1x16xf32>,
    %swap3A_735 = vector.shape_cast %swap3A_734 : vector<1x16xf32> to vector<16xf32>
    %swap3A_736 = vector.shape_cast %broadcast_in_dim3A_730 : vector<16xf32> to vector<1x16xf32>
    tpu.vector_store %arg10[%swap3A_732, %swap3A_733], %swap3A_736 {strides = array<i32>} : memref<16x128xf32, #tpu.memory_space<vmem>>, vector<1x16xf32>,
    %broadcast_in_dim3A_737 = arith.constant 0.000000e+00 : f32
    %broadcast_in_dim3A_738 = vector.broadcast %broadcast_in_dim3A_737 : f32 to vector<16xf32>
    %swap3A_739 = arith.constant 11 : i32
    %swap3A_740 = arith.index_cast %swap3A_739 : i32 to index
    %swap3A_741 = arith.constant 64 : index
    %swap3A_742 = tpu.vector_load %arg10[%swap3A_740, %swap3A_741] {strides = array<i32>} : memref<16x128xf32, #tpu.memory_space<vmem>>, vector<1x16xf32>,
    %swap3A_743 = vector.shape_cast %swap3A_742 : vector<1x16xf32> to vector<16xf32>
    %swap3A_744 = vector.shape_cast %broadcast_in_dim3A_738 : vector<16xf32> to vector<1x16xf32>
    tpu.vector_store %arg10[%swap3A_740, %swap3A_741], %swap3A_744 {strides = array<i32>} : memref<16x128xf32, #tpu.memory_space<vmem>>, vector<1x16xf32>,
    %broadcast_in_dim3A_745 = arith.constant 0.000000e+00 : f32
    %broadcast_in_dim3A_746 = vector.broadcast %broadcast_in_dim3A_745 : f32 to vector<16xf32>
    %swap3A_747 = arith.constant 11 : i32
    %swap3A_748 = arith.index_cast %swap3A_747 : i32 to index
    %swap3A_749 = arith.constant 80 : index
    %swap3A_750 = tpu.vector_load %arg10[%swap3A_748, %swap3A_749] {strides = array<i32>} : memref<16x128xf32, #tpu.memory_space<vmem>>, vector<1x16xf32>,
    %swap3A_751 = vector.shape_cast %swap3A_750 : vector<1x16xf32> to vector<16xf32>
    %swap3A_752 = vector.shape_cast %broadcast_in_dim3A_746 : vector<16xf32> to vector<1x16xf32>
    tpu.vector_store %arg10[%swap3A_748, %swap3A_749], %swap3A_752 {strides = array<i32>} : memref<16x128xf32, #tpu.memory_space<vmem>>, vector<1x16xf32>,
    %broadcast_in_dim3A_753 = arith.constant 0.000000e+00 : f32
    %broadcast_in_dim3A_754 = vector.broadcast %broadcast_in_dim3A_753 : f32 to vector<16xf32>
    %swap3A_755 = arith.constant 11 : i32
    %swap3A_756 = arith.index_cast %swap3A_755 : i32 to index
    %swap3A_757 = arith.constant 96 : index
    %swap3A_758 = tpu.vector_load %arg10[%swap3A_756, %swap3A_757] {strides = array<i32>} : memref<16x128xf32, #tpu.memory_space<vmem>>, vector<1x16xf32>,
    %swap3A_759 = vector.shape_cast %swap3A_758 : vector<1x16xf32> to vector<16xf32>
    %swap3A_760 = vector.shape_cast %broadcast_in_dim3A_754 : vector<16xf32> to vector<1x16xf32>
    tpu.vector_store %arg10[%swap3A_756, %swap3A_757], %swap3A_760 {strides = array<i32>} : memref<16x128xf32, #tpu.memory_space<vmem>>, vector<1x16xf32>,
    %broadcast_in_dim3A_761 = arith.constant 0.000000e+00 : f32
    %broadcast_in_dim3A_762 = vector.broadcast %broadcast_in_dim3A_761 : f32 to vector<16xf32>
    %swap3A_763 = arith.constant 11 : i32
    %swap3A_764 = arith.index_cast %swap3A_763 : i32 to index
    %swap3A_765 = arith.constant 112 : index
    %swap3A_766 = tpu.vector_load %arg10[%swap3A_764, %swap3A_765] {strides = array<i32>} : memref<16x128xf32, #tpu.memory_space<vmem>>, vector<1x16xf32>,
    %swap3A_767 = vector.shape_cast %swap3A_766 : vector<1x16xf32> to vector<16xf32>
    %swap3A_768 = vector.shape_cast %broadcast_in_dim3A_762 : vector<16xf32> to vector<1x16xf32>
    tpu.vector_store %arg10[%swap3A_764, %swap3A_765], %swap3A_768 {strides = array<i32>} : memref<16x128xf32, #tpu.memory_space<vmem>>, vector<1x16xf32>,
    %broadcast_in_dim3A_769 = arith.constant 0.000000e+00 : f32
    %broadcast_in_dim3A_770 = vector.broadcast %broadcast_in_dim3A_769 : f32 to vector<16xf32>
    %swap3A_771 = arith.constant 12 : i32
    %swap3A_772 = arith.index_cast %swap3A_771 : i32 to index
    %swap3A_773 = arith.constant 0 : index
    %swap3A_774 = tpu.vector_load %arg10[%swap3A_772, %swap3A_773] {strides = array<i32>} : memref<16x128xf32, #tpu.memory_space<vmem>>, vector<1x16xf32>,
    %swap3A_775 = vector.shape_cast %swap3A_774 : vector<1x16xf32> to vector<16xf32>
    %swap3A_776 = vector.shape_cast %broadcast_in_dim3A_770 : vector<16xf32> to vector<1x16xf32>
    tpu.vector_store %arg10[%swap3A_772, %swap3A_773], %swap3A_776 {strides = array<i32>} : memref<16x128xf32, #tpu.memory_space<vmem>>, vector<1x16xf32>,
    %broadcast_in_dim3A_777 = arith.constant 0.000000e+00 : f32
    %broadcast_in_dim3A_778 = vector.broadcast %broadcast_in_dim3A_777 : f32 to vector<16xf32>
    %swap3A_779 = arith.constant 12 : i32
    %swap3A_780 = arith.index_cast %swap3A_779 : i32 to index
    %swap3A_781 = arith.constant 16 : index
    %swap3A_782 = tpu.vector_load %arg10[%swap3A_780, %swap3A_781] {strides = array<i32>} : memref<16x128xf32, #tpu.memory_space<vmem>>, vector<1x16xf32>,
    %swap3A_783 = vector.shape_cast %swap3A_782 : vector<1x16xf32> to vector<16xf32>
    %swap3A_784 = vector.shape_cast %broadcast_in_dim3A_778 : vector<16xf32> to vector<1x16xf32>
    tpu.vector_store %arg10[%swap3A_780, %swap3A_781], %swap3A_784 {strides = array<i32>} : memref<16x128xf32, #tpu.memory_space<vmem>>, vector<1x16xf32>,
    %broadcast_in_dim3A_785 = arith.constant 0.000000e+00 : f32
    %broadcast_in_dim3A_786 = vector.broadcast %broadcast_in_dim3A_785 : f32 to vector<16xf32>
    %swap3A_787 = arith.constant 12 : i32
    %swap3A_788 = arith.index_cast %swap3A_787 : i32 to index
    %swap3A_789 = arith.constant 32 : index
    %swap3A_790 = tpu.vector_load %arg10[%swap3A_788, %swap3A_789] {strides = array<i32>} : memref<16x128xf32, #tpu.memory_space<vmem>>, vector<1x16xf32>,
    %swap3A_791 = vector.shape_cast %swap3A_790 : vector<1x16xf32> to vector<16xf32>
    %swap3A_792 = vector.shape_cast %broadcast_in_dim3A_786 : vector<16xf32> to vector<1x16xf32>
    tpu.vector_store %arg10[%swap3A_788, %swap3A_789], %swap3A_792 {strides = array<i32>} : memref<16x128xf32, #tpu.memory_space<vmem>>, vector<1x16xf32>,
    %broadcast_in_dim3A_793 = arith.constant 0.000000e+00 : f32
    %broadcast_in_dim3A_794 = vector.broadcast %broadcast_in_dim3A_793 : f32 to vector<16xf32>
    %swap3A_795 = arith.constant 12 : i32
    %swap3A_796 = arith.index_cast %swap3A_795 : i32 to index
    %swap3A_797 = arith.constant 48 : index
    %swap3A_798 = tpu.vector_load %arg10[%swap3A_796, %swap3A_797] {strides = array<i32>} : memref<16x128xf32, #tpu.memory_space<vmem>>, vector<1x16xf32>,
    %swap3A_799 = vector.shape_cast %swap3A_798 : vector<1x16xf32> to vector<16xf32>
    %swap3A_800 = vector.shape_cast %broadcast_in_dim3A_794 : vector<16xf32> to vector<1x16xf32>
    tpu.vector_store %arg10[%swap3A_796, %swap3A_797], %swap3A_800 {strides = array<i32>} : memref<16x128xf32, #tpu.memory_space<vmem>>, vector<1x16xf32>,
    %broadcast_in_dim3A_801 = arith.constant 0.000000e+00 : f32
    %broadcast_in_dim3A_802 = vector.broadcast %broadcast_in_dim3A_801 : f32 to vector<16xf32>
    %swap3A_803 = arith.constant 12 : i32
    %swap3A_804 = arith.index_cast %swap3A_803 : i32 to index
    %swap3A_805 = arith.constant 64 : index
    %swap3A_806 = tpu.vector_load %arg10[%swap3A_804, %swap3A_805] {strides = array<i32>} : memref<16x128xf32, #tpu.memory_space<vmem>>, vector<1x16xf32>,
    %swap3A_807 = vector.shape_cast %swap3A_806 : vector<1x16xf32> to vector<16xf32>
    %swap3A_808 = vector.shape_cast %broadcast_in_dim3A_802 : vector<16xf32> to vector<1x16xf32>
    tpu.vector_store %arg10[%swap3A_804, %swap3A_805], %swap3A_808 {strides = array<i32>} : memref<16x128xf32, #tpu.memory_space<vmem>>, vector<1x16xf32>,
    %broadcast_in_dim3A_809 = arith.constant 0.000000e+00 : f32
    %broadcast_in_dim3A_810 = vector.broadcast %broadcast_in_dim3A_809 : f32 to vector<16xf32>
    %swap3A_811 = arith.constant 12 : i32
    %swap3A_812 = arith.index_cast %swap3A_811 : i32 to index
    %swap3A_813 = arith.constant 80 : index
    %swap3A_814 = tpu.vector_load %arg10[%swap3A_812, %swap3A_813] {strides = array<i32>} : memref<16x128xf32, #tpu.memory_space<vmem>>, vector<1x16xf32>,
    %swap3A_815 = vector.shape_cast %swap3A_814 : vector<1x16xf32> to vector<16xf32>
    %swap3A_816 = vector.shape_cast %broadcast_in_dim3A_810 : vector<16xf32> to vector<1x16xf32>
    tpu.vector_store %arg10[%swap3A_812, %swap3A_813], %swap3A_816 {strides = array<i32>} : memref<16x128xf32, #tpu.memory_space<vmem>>, vector<1x16xf32>,
    %broadcast_in_dim3A_817 = arith.constant 0.000000e+00 : f32
    %broadcast_in_dim3A_818 = vector.broadcast %broadcast_in_dim3A_817 : f32 to vector<16xf32>
    %swap3A_819 = arith.constant 12 : i32
    %swap3A_820 = arith.index_cast %swap3A_819 : i32 to index
    %swap3A_821 = arith.constant 96 : index
    %swap3A_822 = tpu.vector_load %arg10[%swap3A_820, %swap3A_821] {strides = array<i32>} : memref<16x128xf32, #tpu.memory_space<vmem>>, vector<1x16xf32>,
    %swap3A_823 = vector.shape_cast %swap3A_822 : vector<1x16xf32> to vector<16xf32>
    %swap3A_824 = vector.shape_cast %broadcast_in_dim3A_818 : vector<16xf32> to vector<1x16xf32>
    tpu.vector_store %arg10[%swap3A_820, %swap3A_821], %swap3A_824 {strides = array<i32>} : memref<16x128xf32, #tpu.memory_space<vmem>>, vector<1x16xf32>,
    %broadcast_in_dim3A_825 = arith.constant 0.000000e+00 : f32
    %broadcast_in_dim3A_826 = vector.broadcast %broadcast_in_dim3A_825 : f32 to vector<16xf32>
    %swap3A_827 = arith.constant 12 : i32
    %swap3A_828 = arith.index_cast %swap3A_827 : i32 to index
    %swap3A_829 = arith.constant 112 : index
    %swap3A_830 = tpu.vector_load %arg10[%swap3A_828, %swap3A_829] {strides = array<i32>} : memref<16x128xf32, #tpu.memory_space<vmem>>, vector<1x16xf32>,
    %swap3A_831 = vector.shape_cast %swap3A_830 : vector<1x16xf32> to vector<16xf32>
    %swap3A_832 = vector.shape_cast %broadcast_in_dim3A_826 : vector<16xf32> to vector<1x16xf32>
    tpu.vector_store %arg10[%swap3A_828, %swap3A_829], %swap3A_832 {strides = array<i32>} : memref<16x128xf32, #tpu.memory_space<vmem>>, vector<1x16xf32>,
    %broadcast_in_dim3A_833 = arith.constant 0.000000e+00 : f32
    %broadcast_in_dim3A_834 = vector.broadcast %broadcast_in_dim3A_833 : f32 to vector<16xf32>
    %swap3A_835 = arith.constant 13 : i32
    %swap3A_836 = arith.index_cast %swap3A_835 : i32 to index
    %swap3A_837 = arith.constant 0 : index
    %swap3A_838 = tpu.vector_load %arg10[%swap3A_836, %swap3A_837] {strides = array<i32>} : memref<16x128xf32, #tpu.memory_space<vmem>>, vector<1x16xf32>,
    %swap3A_839 = vector.shape_cast %swap3A_838 : vector<1x16xf32> to vector<16xf32>
    %swap3A_840 = vector.shape_cast %broadcast_in_dim3A_834 : vector<16xf32> to vector<1x16xf32>
    tpu.vector_store %arg10[%swap3A_836, %swap3A_837], %swap3A_840 {strides = array<i32>} : memref<16x128xf32, #tpu.memory_space<vmem>>, vector<1x16xf32>,
    %broadcast_in_dim3A_841 = arith.constant 0.000000e+00 : f32
    %broadcast_in_dim3A_842 = vector.broadcast %broadcast_in_dim3A_841 : f32 to vector<16xf32>
    %swap3A_843 = arith.constant 13 : i32
    %swap3A_844 = arith.index_cast %swap3A_843 : i32 to index
    %swap3A_845 = arith.constant 16 : index
    %swap3A_846 = tpu.vector_load %arg10[%swap3A_844, %swap3A_845] {strides = array<i32>} : memref<16x128xf32, #tpu.memory_space<vmem>>, vector<1x16xf32>,
    %swap3A_847 = vector.shape_cast %swap3A_846 : vector<1x16xf32> to vector<16xf32>
    %swap3A_848 = vector.shape_cast %broadcast_in_dim3A_842 : vector<16xf32> to vector<1x16xf32>
    tpu.vector_store %arg10[%swap3A_844, %swap3A_845], %swap3A_848 {strides = array<i32>} : memref<16x128xf32, #tpu.memory_space<vmem>>, vector<1x16xf32>,
    %broadcast_in_dim3A_849 = arith.constant 0.000000e+00 : f32
    %broadcast_in_dim3A_850 = vector.broadcast %broadcast_in_dim3A_849 : f32 to vector<16xf32>
    %swap3A_851 = arith.constant 13 : i32
    %swap3A_852 = arith.index_cast %swap3A_851 : i32 to index
    %swap3A_853 = arith.constant 32 : index
    %swap3A_854 = tpu.vector_load %arg10[%swap3A_852, %swap3A_853] {strides = array<i32>} : memref<16x128xf32, #tpu.memory_space<vmem>>, vector<1x16xf32>,
    %swap3A_855 = vector.shape_cast %swap3A_854 : vector<1x16xf32> to vector<16xf32>
    %swap3A_856 = vector.shape_cast %broadcast_in_dim3A_850 : vector<16xf32> to vector<1x16xf32>
    tpu.vector_store %arg10[%swap3A_852, %swap3A_853], %swap3A_856 {strides = array<i32>} : memref<16x128xf32, #tpu.memory_space<vmem>>, vector<1x16xf32>,
    %broadcast_in_dim3A_857 = arith.constant 0.000000e+00 : f32
    %broadcast_in_dim3A_858 = vector.broadcast %broadcast_in_dim3A_857 : f32 to vector<16xf32>
    %swap3A_859 = arith.constant 13 : i32
    %swap3A_860 = arith.index_cast %swap3A_859 : i32 to index
    %swap3A_861 = arith.constant 48 : index
    %swap3A_862 = tpu.vector_load %arg10[%swap3A_860, %swap3A_861] {strides = array<i32>} : memref<16x128xf32, #tpu.memory_space<vmem>>, vector<1x16xf32>,
    %swap3A_863 = vector.shape_cast %swap3A_862 : vector<1x16xf32> to vector<16xf32>
    %swap3A_864 = vector.shape_cast %broadcast_in_dim3A_858 : vector<16xf32> to vector<1x16xf32>
    tpu.vector_store %arg10[%swap3A_860, %swap3A_861], %swap3A_864 {strides = array<i32>} : memref<16x128xf32, #tpu.memory_space<vmem>>, vector<1x16xf32>,
    %broadcast_in_dim3A_865 = arith.constant 0.000000e+00 : f32
    %broadcast_in_dim3A_866 = vector.broadcast %broadcast_in_dim3A_865 : f32 to vector<16xf32>
    %swap3A_867 = arith.constant 13 : i32
    %swap3A_868 = arith.index_cast %swap3A_867 : i32 to index
    %swap3A_869 = arith.constant 64 : index
    %swap3A_870 = tpu.vector_load %arg10[%swap3A_868, %swap3A_869] {strides = array<i32>} : memref<16x128xf32, #tpu.memory_space<vmem>>, vector<1x16xf32>,
    %swap3A_871 = vector.shape_cast %swap3A_870 : vector<1x16xf32> to vector<16xf32>
    %swap3A_872 = vector.shape_cast %broadcast_in_dim3A_866 : vector<16xf32> to vector<1x16xf32>
    tpu.vector_store %arg10[%swap3A_868, %swap3A_869], %swap3A_872 {strides = array<i32>} : memref<16x128xf32, #tpu.memory_space<vmem>>, vector<1x16xf32>,
    %broadcast_in_dim3A_873 = arith.constant 0.000000e+00 : f32
    %broadcast_in_dim3A_874 = vector.broadcast %broadcast_in_dim3A_873 : f32 to vector<16xf32>
    %swap3A_875 = arith.constant 13 : i32
    %swap3A_876 = arith.index_cast %swap3A_875 : i32 to index
    %swap3A_877 = arith.constant 80 : index
    %swap3A_878 = tpu.vector_load %arg10[%swap3A_876, %swap3A_877] {strides = array<i32>} : memref<16x128xf32, #tpu.memory_space<vmem>>, vector<1x16xf32>,
    %swap3A_879 = vector.shape_cast %swap3A_878 : vector<1x16xf32> to vector<16xf32>
    %swap3A_880 = vector.shape_cast %broadcast_in_dim3A_874 : vector<16xf32> to vector<1x16xf32>
    tpu.vector_store %arg10[%swap3A_876, %swap3A_877], %swap3A_880 {strides = array<i32>} : memref<16x128xf32, #tpu.memory_space<vmem>>, vector<1x16xf32>,
    %broadcast_in_dim3A_881 = arith.constant 0.000000e+00 : f32
    %broadcast_in_dim3A_882 = vector.broadcast %broadcast_in_dim3A_881 : f32 to vector<16xf32>
    %swap3A_883 = arith.constant 13 : i32
    %swap3A_884 = arith.index_cast %swap3A_883 : i32 to index
    %swap3A_885 = arith.constant 96 : index
    %swap3A_886 = tpu.vector_load %arg10[%swap3A_884, %swap3A_885] {strides = array<i32>} : memref<16x128xf32, #tpu.memory_space<vmem>>, vector<1x16xf32>,
    %swap3A_887 = vector.shape_cast %swap3A_886 : vector<1x16xf32> to vector<16xf32>
    %swap3A_888 = vector.shape_cast %broadcast_in_dim3A_882 : vector<16xf32> to vector<1x16xf32>
    tpu.vector_store %arg10[%swap3A_884, %swap3A_885], %swap3A_888 {strides = array<i32>} : memref<16x128xf32, #tpu.memory_space<vmem>>, vector<1x16xf32>,
    %broadcast_in_dim3A_889 = arith.constant 0.000000e+00 : f32
    %broadcast_in_dim3A_890 = vector.broadcast %broadcast_in_dim3A_889 : f32 to vector<16xf32>
    %swap3A_891 = arith.constant 13 : i32
    %swap3A_892 = arith.index_cast %swap3A_891 : i32 to index
    %swap3A_893 = arith.constant 112 : index
    %swap3A_894 = tpu.vector_load %arg10[%swap3A_892, %swap3A_893] {strides = array<i32>} : memref<16x128xf32, #tpu.memory_space<vmem>>, vector<1x16xf32>,
    %swap3A_895 = vector.shape_cast %swap3A_894 : vector<1x16xf32> to vector<16xf32>
    %swap3A_896 = vector.shape_cast %broadcast_in_dim3A_890 : vector<16xf32> to vector<1x16xf32>
    tpu.vector_store %arg10[%swap3A_892, %swap3A_893], %swap3A_896 {strides = array<i32>} : memref<16x128xf32, #tpu.memory_space<vmem>>, vector<1x16xf32>,
    %broadcast_in_dim3A_897 = arith.constant 0.000000e+00 : f32
    %broadcast_in_dim3A_898 = vector.broadcast %broadcast_in_dim3A_897 : f32 to vector<16xf32>
    %swap3A_899 = arith.constant 14 : i32
    %swap3A_900 = arith.index_cast %swap3A_899 : i32 to index
    %swap3A_901 = arith.constant 0 : index
    %swap3A_902 = tpu.vector_load %arg10[%swap3A_900, %swap3A_901] {strides = array<i32>} : memref<16x128xf32, #tpu.memory_space<vmem>>, vector<1x16xf32>,
    %swap3A_903 = vector.shape_cast %swap3A_902 : vector<1x16xf32> to vector<16xf32>
    %swap3A_904 = vector.shape_cast %broadcast_in_dim3A_898 : vector<16xf32> to vector<1x16xf32>
    tpu.vector_store %arg10[%swap3A_900, %swap3A_901], %swap3A_904 {strides = array<i32>} : memref<16x128xf32, #tpu.memory_space<vmem>>, vector<1x16xf32>,
    %broadcast_in_dim3A_905 = arith.constant 0.000000e+00 : f32
    %broadcast_in_dim3A_906 = vector.broadcast %broadcast_in_dim3A_905 : f32 to vector<16xf32>
    %swap3A_907 = arith.constant 14 : i32
    %swap3A_908 = arith.index_cast %swap3A_907 : i32 to index
    %swap3A_909 = arith.constant 16 : index
    %swap3A_910 = tpu.vector_load %arg10[%swap3A_908, %swap3A_909] {strides = array<i32>} : memref<16x128xf32, #tpu.memory_space<vmem>>, vector<1x16xf32>,
    %swap3A_911 = vector.shape_cast %swap3A_910 : vector<1x16xf32> to vector<16xf32>
    %swap3A_912 = vector.shape_cast %broadcast_in_dim3A_906 : vector<16xf32> to vector<1x16xf32>
    tpu.vector_store %arg10[%swap3A_908, %swap3A_909], %swap3A_912 {strides = array<i32>} : memref<16x128xf32, #tpu.memory_space<vmem>>, vector<1x16xf32>,
    %broadcast_in_dim3A_913 = arith.constant 0.000000e+00 : f32
    %broadcast_in_dim3A_914 = vector.broadcast %broadcast_in_dim3A_913 : f32 to vector<16xf32>
    %swap3A_915 = arith.constant 14 : i32
    %swap3A_916 = arith.index_cast %swap3A_915 : i32 to index
    %swap3A_917 = arith.constant 32 : index
    %swap3A_918 = tpu.vector_load %arg10[%swap3A_916, %swap3A_917] {strides = array<i32>} : memref<16x128xf32, #tpu.memory_space<vmem>>, vector<1x16xf32>,
    %swap3A_919 = vector.shape_cast %swap3A_918 : vector<1x16xf32> to vector<16xf32>
    %swap3A_920 = vector.shape_cast %broadcast_in_dim3A_914 : vector<16xf32> to vector<1x16xf32>
    tpu.vector_store %arg10[%swap3A_916, %swap3A_917], %swap3A_920 {strides = array<i32>} : memref<16x128xf32, #tpu.memory_space<vmem>>, vector<1x16xf32>,
    %broadcast_in_dim3A_921 = arith.constant 0.000000e+00 : f32
    %broadcast_in_dim3A_922 = vector.broadcast %broadcast_in_dim3A_921 : f32 to vector<16xf32>
    %swap3A_923 = arith.constant 14 : i32
    %swap3A_924 = arith.index_cast %swap3A_923 : i32 to index
    %swap3A_925 = arith.constant 48 : index
    %swap3A_926 = tpu.vector_load %arg10[%swap3A_924, %swap3A_925] {strides = array<i32>} : memref<16x128xf32, #tpu.memory_space<vmem>>, vector<1x16xf32>,
    %swap3A_927 = vector.shape_cast %swap3A_926 : vector<1x16xf32> to vector<16xf32>
    %swap3A_928 = vector.shape_cast %broadcast_in_dim3A_922 : vector<16xf32> to vector<1x16xf32>
    tpu.vector_store %arg10[%swap3A_924, %swap3A_925], %swap3A_928 {strides = array<i32>} : memref<16x128xf32, #tpu.memory_space<vmem>>, vector<1x16xf32>,
    %broadcast_in_dim3A_929 = arith.constant 0.000000e+00 : f32
    %broadcast_in_dim3A_930 = vector.broadcast %broadcast_in_dim3A_929 : f32 to vector<16xf32>
    %swap3A_931 = arith.constant 14 : i32
    %swap3A_932 = arith.index_cast %swap3A_931 : i32 to index
    %swap3A_933 = arith.constant 64 : index
    %swap3A_934 = tpu.vector_load %arg10[%swap3A_932, %swap3A_933] {strides = array<i32>} : memref<16x128xf32, #tpu.memory_space<vmem>>, vector<1x16xf32>,
    %swap3A_935 = vector.shape_cast %swap3A_934 : vector<1x16xf32> to vector<16xf32>
    %swap3A_936 = vector.shape_cast %broadcast_in_dim3A_930 : vector<16xf32> to vector<1x16xf32>
    tpu.vector_store %arg10[%swap3A_932, %swap3A_933], %swap3A_936 {strides = array<i32>} : memref<16x128xf32, #tpu.memory_space<vmem>>, vector<1x16xf32>,
    %broadcast_in_dim3A_937 = arith.constant 0.000000e+00 : f32
    %broadcast_in_dim3A_938 = vector.broadcast %broadcast_in_dim3A_937 : f32 to vector<16xf32>
    %swap3A_939 = arith.constant 14 : i32
    %swap3A_940 = arith.index_cast %swap3A_939 : i32 to index
    %swap3A_941 = arith.constant 80 : index
    %swap3A_942 = tpu.vector_load %arg10[%swap3A_940, %swap3A_941] {strides = array<i32>} : memref<16x128xf32, #tpu.memory_space<vmem>>, vector<1x16xf32>,
    %swap3A_943 = vector.shape_cast %swap3A_942 : vector<1x16xf32> to vector<16xf32>
    %swap3A_944 = vector.shape_cast %broadcast_in_dim3A_938 : vector<16xf32> to vector<1x16xf32>
    tpu.vector_store %arg10[%swap3A_940, %swap3A_941], %swap3A_944 {strides = array<i32>} : memref<16x128xf32, #tpu.memory_space<vmem>>, vector<1x16xf32>,
    %broadcast_in_dim3A_945 = arith.constant 0.000000e+00 : f32
    %broadcast_in_dim3A_946 = vector.broadcast %broadcast_in_dim3A_945 : f32 to vector<16xf32>
    %swap3A_947 = arith.constant 14 : i32
    %swap3A_948 = arith.index_cast %swap3A_947 : i32 to index
    %swap3A_949 = arith.constant 96 : index
    %swap3A_950 = tpu.vector_load %arg10[%swap3A_948, %swap3A_949] {strides = array<i32>} : memref<16x128xf32, #tpu.memory_space<vmem>>, vector<1x16xf32>,
    %swap3A_951 = vector.shape_cast %swap3A_950 : vector<1x16xf32> to vector<16xf32>
    %swap3A_952 = vector.shape_cast %broadcast_in_dim3A_946 : vector<16xf32> to vector<1x16xf32>
    tpu.vector_store %arg10[%swap3A_948, %swap3A_949], %swap3A_952 {strides = array<i32>} : memref<16x128xf32, #tpu.memory_space<vmem>>, vector<1x16xf32>,
    %broadcast_in_dim3A_953 = arith.constant 0.000000e+00 : f32
    %broadcast_in_dim3A_954 = vector.broadcast %broadcast_in_dim3A_953 : f32 to vector<16xf32>
    %swap3A_955 = arith.constant 14 : i32
    %swap3A_956 = arith.index_cast %swap3A_955 : i32 to index
    %swap3A_957 = arith.constant 112 : index
    %swap3A_958 = tpu.vector_load %arg10[%swap3A_956, %swap3A_957] {strides = array<i32>} : memref<16x128xf32, #tpu.memory_space<vmem>>, vector<1x16xf32>,
    %swap3A_959 = vector.shape_cast %swap3A_958 : vector<1x16xf32> to vector<16xf32>
    %swap3A_960 = vector.shape_cast %broadcast_in_dim3A_954 : vector<16xf32> to vector<1x16xf32>
    tpu.vector_store %arg10[%swap3A_956, %swap3A_957], %swap3A_960 {strides = array<i32>} : memref<16x128xf32, #tpu.memory_space<vmem>>, vector<1x16xf32>,
    %broadcast_in_dim3A_961 = arith.constant 0.000000e+00 : f32
    %broadcast_in_dim3A_962 = vector.broadcast %broadcast_in_dim3A_961 : f32 to vector<16xf32>
    %swap3A_963 = arith.constant 15 : i32
    %swap3A_964 = arith.index_cast %swap3A_963 : i32 to index
    %swap3A_965 = arith.constant 0 : index
    %swap3A_966 = tpu.vector_load %arg10[%swap3A_964, %swap3A_965] {strides = array<i32>} : memref<16x128xf32, #tpu.memory_space<vmem>>, vector<1x16xf32>,
    %swap3A_967 = vector.shape_cast %swap3A_966 : vector<1x16xf32> to vector<16xf32>
    %swap3A_968 = vector.shape_cast %broadcast_in_dim3A_962 : vector<16xf32> to vector<1x16xf32>
    tpu.vector_store %arg10[%swap3A_964, %swap3A_965], %swap3A_968 {strides = array<i32>} : memref<16x128xf32, #tpu.memory_space<vmem>>, vector<1x16xf32>,
    %broadcast_in_dim3A_969 = arith.constant 0.000000e+00 : f32
    %broadcast_in_dim3A_970 = vector.broadcast %broadcast_in_dim3A_969 : f32 to vector<16xf32>
    %swap3A_971 = arith.constant 15 : i32
    %swap3A_972 = arith.index_cast %swap3A_971 : i32 to index
    %swap3A_973 = arith.constant 16 : index
    %swap3A_974 = tpu.vector_load %arg10[%swap3A_972, %swap3A_973] {strides = array<i32>} : memref<16x128xf32, #tpu.memory_space<vmem>>, vector<1x16xf32>,
    %swap3A_975 = vector.shape_cast %swap3A_974 : vector<1x16xf32> to vector<16xf32>
    %swap3A_976 = vector.shape_cast %broadcast_in_dim3A_970 : vector<16xf32> to vector<1x16xf32>
    tpu.vector_store %arg10[%swap3A_972, %swap3A_973], %swap3A_976 {strides = array<i32>} : memref<16x128xf32, #tpu.memory_space<vmem>>, vector<1x16xf32>,
    %broadcast_in_dim3A_977 = arith.constant 0.000000e+00 : f32
    %broadcast_in_dim3A_978 = vector.broadcast %broadcast_in_dim3A_977 : f32 to vector<16xf32>
    %swap3A_979 = arith.constant 15 : i32
    %swap3A_980 = arith.index_cast %swap3A_979 : i32 to index
    %swap3A_981 = arith.constant 32 : index
    %swap3A_982 = tpu.vector_load %arg10[%swap3A_980, %swap3A_981] {strides = array<i32>} : memref<16x128xf32, #tpu.memory_space<vmem>>, vector<1x16xf32>,
    %swap3A_983 = vector.shape_cast %swap3A_982 : vector<1x16xf32> to vector<16xf32>
    %swap3A_984 = vector.shape_cast %broadcast_in_dim3A_978 : vector<16xf32> to vector<1x16xf32>
    tpu.vector_store %arg10[%swap3A_980, %swap3A_981], %swap3A_984 {strides = array<i32>} : memref<16x128xf32, #tpu.memory_space<vmem>>, vector<1x16xf32>,
    %broadcast_in_dim3A_985 = arith.constant 0.000000e+00 : f32
    %broadcast_in_dim3A_986 = vector.broadcast %broadcast_in_dim3A_985 : f32 to vector<16xf32>
    %swap3A_987 = arith.constant 15 : i32
    %swap3A_988 = arith.index_cast %swap3A_987 : i32 to index
    %swap3A_989 = arith.constant 48 : index
    %swap3A_990 = tpu.vector_load %arg10[%swap3A_988, %swap3A_989] {strides = array<i32>} : memref<16x128xf32, #tpu.memory_space<vmem>>, vector<1x16xf32>,
    %swap3A_991 = vector.shape_cast %swap3A_990 : vector<1x16xf32> to vector<16xf32>
    %swap3A_992 = vector.shape_cast %broadcast_in_dim3A_986 : vector<16xf32> to vector<1x16xf32>
    tpu.vector_store %arg10[%swap3A_988, %swap3A_989], %swap3A_992 {strides = array<i32>} : memref<16x128xf32, #tpu.memory_space<vmem>>, vector<1x16xf32>,
    %broadcast_in_dim3A_993 = arith.constant 0.000000e+00 : f32
    %broadcast_in_dim3A_994 = vector.broadcast %broadcast_in_dim3A_993 : f32 to vector<16xf32>
    %swap3A_995 = arith.constant 15 : i32
    %swap3A_996 = arith.index_cast %swap3A_995 : i32 to index
    %swap3A_997 = arith.constant 64 : index
    %swap3A_998 = tpu.vector_load %arg10[%swap3A_996, %swap3A_997] {strides = array<i32>} : memref<16x128xf32, #tpu.memory_space<vmem>>, vector<1x16xf32>,
    %swap3A_999 = vector.shape_cast %swap3A_998 : vector<1x16xf32> to vector<16xf32>
    %swap3A_1000 = vector.shape_cast %broadcast_in_dim3A_994 : vector<16xf32> to vector<1x16xf32>
    tpu.vector_store %arg10[%swap3A_996, %swap3A_997], %swap3A_1000 {strides = array<i32>} : memref<16x128xf32, #tpu.memory_space<vmem>>, vector<1x16xf32>,
    %broadcast_in_dim3A_1001 = arith.constant 0.000000e+00 : f32
    %broadcast_in_dim3A_1002 = vector.broadcast %broadcast_in_dim3A_1001 : f32 to vector<16xf32>
    %swap3A_1003 = arith.constant 15 : i32
    %swap3A_1004 = arith.index_cast %swap3A_1003 : i32 to index
    %swap3A_1005 = arith.constant 80 : index
    %swap3A_1006 = tpu.vector_load %arg10[%swap3A_1004, %swap3A_1005] {strides = array<i32>} : memref<16x128xf32, #tpu.memory_space<vmem>>, vector<1x16xf32>,
    %swap3A_1007 = vector.shape_cast %swap3A_1006 : vector<1x16xf32> to vector<16xf32>
    %swap3A_1008 = vector.shape_cast %broadcast_in_dim3A_1002 : vector<16xf32> to vector<1x16xf32>
    tpu.vector_store %arg10[%swap3A_1004, %swap3A_1005], %swap3A_1008 {strides = array<i32>} : memref<16x128xf32, #tpu.memory_space<vmem>>, vector<1x16xf32>,
    %broadcast_in_dim3A_1009 = arith.constant 0.000000e+00 : f32
    %broadcast_in_dim3A_1010 = vector.broadcast %broadcast_in_dim3A_1009 : f32 to vector<16xf32>
    %swap3A_1011 = arith.constant 15 : i32
    %swap3A_1012 = arith.index_cast %swap3A_1011 : i32 to index
    %swap3A_1013 = arith.constant 96 : index
    %swap3A_1014 = tpu.vector_load %arg10[%swap3A_1012, %swap3A_1013] {strides = array<i32>} : memref<16x128xf32, #tpu.memory_space<vmem>>, vector<1x16xf32>,
    %swap3A_1015 = vector.shape_cast %swap3A_1014 : vector<1x16xf32> to vector<16xf32>
    %swap3A_1016 = vector.shape_cast %broadcast_in_dim3A_1010 : vector<16xf32> to vector<1x16xf32>
    tpu.vector_store %arg10[%swap3A_1012, %swap3A_1013], %swap3A_1016 {strides = array<i32>} : memref<16x128xf32, #tpu.memory_space<vmem>>, vector<1x16xf32>,
    %broadcast_in_dim3A_1017 = arith.constant 0.000000e+00 : f32
    %broadcast_in_dim3A_1018 = vector.broadcast %broadcast_in_dim3A_1017 : f32 to vector<16xf32>
    %swap3A_1019 = arith.constant 15 : i32
    %swap3A_1020 = arith.index_cast %swap3A_1019 : i32 to index
    %swap3A_1021 = arith.constant 112 : index
    %swap3A_1022 = tpu.vector_load %arg10[%swap3A_1020, %swap3A_1021] {strides = array<i32>} : memref<16x128xf32, #tpu.memory_space<vmem>>, vector<1x16xf32>,
    %swap3A_1023 = vector.shape_cast %swap3A_1022 : vector<1x16xf32> to vector<16xf32>
    %swap3A_1024 = vector.shape_cast %broadcast_in_dim3A_1018 : vector<16xf32> to vector<1x16xf32>
    tpu.vector_store %arg10[%swap3A_1020, %swap3A_1021], %swap3A_1024 {strides = array<i32>} : memref<16x128xf32, #tpu.memory_space<vmem>>, vector<1x16xf32>,
    %mul3A_1025 = arith.constant 16 : i32
    %mul3A_1026 = arith.muli %arg1, %mul3A_1025 : i32
    "tpu.region"() ({
      %run_scoped3A_1196 = tpu.sem_alloc : memref<!tpu.dma_semaphore, #tpu.memory_space<semaphore_mem>>
      %dma_start3A_1197 = arith.constant 0 : i32
      %dma_start3A_1198 = tpu.memref_slice %arg11[%mul3A_1026, %dma_start3A_1197] : memref<256x128xf32, #tpu.memory_space<vmem_shared>> -> memref<16x128xf32, #tpu.memory_space<vmem_shared>>
      %dma_start3A_1199 = arith.constant 0 : i32
      %dma_start3A_1200 = tpu.memref_slice %arg11[%mul3A_1026, %dma_start3A_1199] : memref<256x128xf32, #tpu.memory_space<vmem_shared>> -> memref<16x128xf32, #tpu.memory_space<vmem_shared>>
      tpu.enqueue_dma source(%arg10 : memref<16x128xf32, #tpu.memory_space<vmem>>) target(%dma_start3A_1200 : memref<16x128xf32, #tpu.memory_space<vmem_shared>>) target_semaphore(%run_scoped3A_1196 : memref<!tpu.dma_semaphore, #tpu.memory_space<semaphore_mem>>)
      %dma_wait3A_1201 = arith.constant 0 : i32
      %dma_wait3A_1202 = tpu.memref_slice %arg11[%mul3A_1026, %dma_wait3A_1201] : memref<256x128xf32, #tpu.memory_space<vmem_shared>> -> memref<16x128xf32, #tpu.memory_space<vmem_shared>>
      %dma_wait3A_1203 = arith.constant 0 : i32
      %dma_wait3A_1204 = tpu.memref_slice %arg11[%mul3A_1026, %dma_wait3A_1203] : memref<256x128xf32, #tpu.memory_space<vmem_shared>> -> memref<16x128xf32, #tpu.memory_space<vmem_shared>>
      tpu.wait_dma2 semaphore(%run_scoped3A_1196 : memref<!tpu.dma_semaphore, #tpu.memory_space<semaphore_mem>>) src(%arg10 : memref<16x128xf32, #tpu.memory_space<vmem>>) dst(%dma_wait3A_1204 : memref<16x128xf32, #tpu.memory_space<vmem_shared>>)
      tpu.yield
    }) : () -> ()
    "tpu.region"() ({
      %run_scoped3A_1196 = tpu.sem_alloc : memref<!tpu.dma_semaphore, #tpu.memory_space<semaphore_mem>>
      %dma_start3A_1197 = arith.constant 0 : i32
      %dma_start3A_1198 = tpu.memref_slice %arg12[%mul3A_1026, %dma_start3A_1197] : memref<256x128xf32, #tpu.memory_space<vmem_shared>> -> memref<16x128xf32, #tpu.memory_space<vmem_shared>>
      %dma_start3A_1199 = arith.constant 0 : i32
      %dma_start3A_1200 = tpu.memref_slice %arg12[%mul3A_1026, %dma_start3A_1199] : memref<256x128xf32, #tpu.memory_space<vmem_shared>> -> memref<16x128xf32, #tpu.memory_space<vmem_shared>>
      tpu.enqueue_dma source(%arg10 : memref<16x128xf32, #tpu.memory_space<vmem>>) target(%dma_start3A_1200 : memref<16x128xf32, #tpu.memory_space<vmem_shared>>) target_semaphore(%run_scoped3A_1196 : memref<!tpu.dma_semaphore, #tpu.memory_space<semaphore_mem>>)
      %dma_wait3A_1201 = arith.constant 0 : i32
      %dma_wait3A_1202 = tpu.memref_slice %arg12[%mul3A_1026, %dma_wait3A_1201] : memref<256x128xf32, #tpu.memory_space<vmem_shared>> -> memref<16x128xf32, #tpu.memory_space<vmem_shared>>
      %dma_wait3A_1203 = arith.constant 0 : i32
      %dma_wait3A_1204 = tpu.memref_slice %arg12[%mul3A_1026, %dma_wait3A_1203] : memref<256x128xf32, #tpu.memory_space<vmem_shared>> -> memref<16x128xf32, #tpu.memory_space<vmem_shared>>
      tpu.wait_dma2 semaphore(%run_scoped3A_1196 : memref<!tpu.dma_semaphore, #tpu.memory_space<semaphore_mem>>) src(%arg10 : memref<16x128xf32, #tpu.memory_space<vmem>>) dst(%dma_wait3A_1204 : memref<16x128xf32, #tpu.memory_space<vmem_shared>>)
      tpu.yield
    }) : () -> ()
    "tpu.region"() ({
      %run_scoped3A_1196 = tpu.sem_alloc : memref<!tpu.dma_semaphore, #tpu.memory_space<semaphore_mem>>
      %dma_start3A_1197 = arith.constant 0 : i32
      %dma_start3A_1198 = arith.constant 0 : i32
      %dma_start3A_1199 = tpu.memref_slice %arg3[%add3A, %dma_start3A_1197, %dma_start3A_1198] : memref<32x79x128xi32, #tpu.memory_space<hbm>> -> memref<1x79x128xi32, #tpu.memory_space<hbm>>
      %dma_start3A_1200 = tpu.memref_squeeze %dma_start3A_1199 : memref<1x79x128xi32, #tpu.memory_space<hbm>> -> memref<79x128xi32, #tpu.memory_space<hbm>>
      %dma_start3A_1201 = arith.constant 0 : i32
      %dma_start3A_1202 = arith.constant 0 : i32
      %dma_start3A_1203 = tpu.memref_slice %arg3[%add3A, %dma_start3A_1201, %dma_start3A_1202] : memref<32x79x128xi32, #tpu.memory_space<hbm>> -> memref<1x79x128xi32, #tpu.memory_space<hbm>>
      %dma_start3A_1204 = tpu.memref_squeeze %dma_start3A_1203 : memref<1x79x128xi32, #tpu.memory_space<hbm>> -> memref<79x128xi32, #tpu.memory_space<hbm>>
      tpu.enqueue_dma source(%dma_start3A_1204 : memref<79x128xi32, #tpu.memory_space<hbm>>) target(%arg9 : memref<79x128xi32, #tpu.memory_space<vmem>>) target_semaphore(%run_scoped3A_1196 : memref<!tpu.dma_semaphore, #tpu.memory_space<semaphore_mem>>)
      %dma_wait3A_1205 = arith.constant 0 : i32
      %dma_wait3A_1206 = arith.constant 0 : i32
      %dma_wait3A_1207 = tpu.memref_slice %arg3[%add3A, %dma_wait3A_1205, %dma_wait3A_1206] : memref<32x79x128xi32, #tpu.memory_space<hbm>> -> memref<1x79x128xi32, #tpu.memory_space<hbm>>
      %dma_wait3A_1208 = tpu.memref_squeeze %dma_wait3A_1207 : memref<1x79x128xi32, #tpu.memory_space<hbm>> -> memref<79x128xi32, #tpu.memory_space<hbm>>
      %dma_wait3A_1209 = arith.constant 0 : i32
      %dma_wait3A_1210 = arith.constant 0 : i32
      %dma_wait3A_1211 = tpu.memref_slice %arg3[%add3A, %dma_wait3A_1209, %dma_wait3A_1210] : memref<32x79x128xi32, #tpu.memory_space<hbm>> -> memref<1x79x128xi32, #tpu.memory_space<hbm>>
      %dma_wait3A_1212 = tpu.memref_squeeze %dma_wait3A_1211 : memref<1x79x128xi32, #tpu.memory_space<hbm>> -> memref<79x128xi32, #tpu.memory_space<hbm>>
      tpu.wait_dma2 semaphore(%run_scoped3A_1196 : memref<!tpu.dma_semaphore, #tpu.memory_space<semaphore_mem>>) src(%dma_wait3A_1212 : memref<79x128xi32, #tpu.memory_space<hbm>>) dst(%arg9 : memref<79x128xi32, #tpu.memory_space<vmem>>)
      tpu.yield
    }) : () -> ()
    %barrier3A = arith.constant 0 : index
    tpu.barrier barrier_id(%barrier3A)
    %add3A_1027 = arith.constant 0 : i32
    %add3A_1028 = arith.addi %mul3A_2, %add3A_1027 : i32
    %dma_start3A = arith.constant 0 : i32
    %dma_start3A_1029 = tpu.memref_slice %arg2[%add3A_1028, %dma_start3A] : memref<320000x128xf32, #tpu.memory_space<hbm>> -> memref<128x128xf32, #tpu.memory_space<hbm>>
    %dma_start3A_1030 = arith.constant 0 : i32
    %dma_start3A_1031 = tpu.memref_slice %arg2[%add3A_1028, %dma_start3A_1030] : memref<320000x128xf32, #tpu.memory_space<hbm>> -> memref<128x128xf32, #tpu.memory_space<hbm>>
    tpu.enqueue_dma source(%dma_start3A_1031 : memref<128x128xf32, #tpu.memory_space<hbm>>) target(%arg5 : memref<128x128xf32, #tpu.memory_space<vmem>>) target_semaphore(%arg13 : memref<!tpu.dma_semaphore, #tpu.memory_space<semaphore_mem>>)
    %add3A_1032 = arith.constant 128 : i32
    %add3A_1033 = arith.addi %mul3A_2, %add3A_1032 : i32
    %dma_start3A_1034 = arith.constant 0 : i32
    %dma_start3A_1035 = tpu.memref_slice %arg2[%add3A_1033, %dma_start3A_1034] : memref<320000x128xf32, #tpu.memory_space<hbm>> -> memref<128x128xf32, #tpu.memory_space<hbm>>
    %dma_start3A_1036 = arith.constant 0 : i32
    %dma_start3A_1037 = tpu.memref_slice %arg2[%add3A_1033, %dma_start3A_1036] : memref<320000x128xf32, #tpu.memory_space<hbm>> -> memref<128x128xf32, #tpu.memory_space<hbm>>
    tpu.enqueue_dma source(%dma_start3A_1037 : memref<128x128xf32, #tpu.memory_space<hbm>>) target(%arg6 : memref<128x128xf32, #tpu.memory_space<vmem>>) target_semaphore(%arg14 : memref<!tpu.dma_semaphore, #tpu.memory_space<semaphore_mem>>)
    %add3A_1038 = arith.constant 256 : i32
    %add3A_1039 = arith.addi %mul3A_2, %add3A_1038 : i32
    %dma_start3A_1040 = arith.constant 0 : i32
    %dma_start3A_1041 = tpu.memref_slice %arg2[%add3A_1039, %dma_start3A_1040] : memref<320000x128xf32, #tpu.memory_space<hbm>> -> memref<128x128xf32, #tpu.memory_space<hbm>>
    %dma_start3A_1042 = arith.constant 0 : i32
    %dma_start3A_1043 = tpu.memref_slice %arg2[%add3A_1039, %dma_start3A_1042] : memref<320000x128xf32, #tpu.memory_space<hbm>> -> memref<128x128xf32, #tpu.memory_space<hbm>>
    tpu.enqueue_dma source(%dma_start3A_1043 : memref<128x128xf32, #tpu.memory_space<hbm>>) target(%arg7 : memref<128x128xf32, #tpu.memory_space<vmem>>) target_semaphore(%arg15 : memref<!tpu.dma_semaphore, #tpu.memory_space<semaphore_mem>>)
    %add3A_1044 = arith.constant 0 : i32
    %add3A_1045 = arith.addi %mul3A_2, %add3A_1044 : i32
    %dma_wait3A = arith.constant 0 : i32
    %dma_wait3A_1046 = tpu.memref_slice %arg2[%add3A_1045, %dma_wait3A] : memref<320000x128xf32, #tpu.memory_space<hbm>> -> memref<128x128xf32, #tpu.memory_space<hbm>>
    %dma_wait3A_1047 = arith.constant 0 : i32
    %dma_wait3A_1048 = tpu.memref_slice %arg2[%add3A_1045, %dma_wait3A_1047] : memref<320000x128xf32, #tpu.memory_space<hbm>> -> memref<128x128xf32, #tpu.memory_space<hbm>>
    tpu.wait_dma2 semaphore(%arg13 : memref<!tpu.dma_semaphore, #tpu.memory_space<semaphore_mem>>) src(%dma_wait3A_1048 : memref<128x128xf32, #tpu.memory_space<hbm>>) dst(%arg5 : memref<128x128xf32, #tpu.memory_space<vmem>>)
    %dma_start3A_1049 = arith.constant 0 : i32
    %dma_start3A_1050 = arith.constant 0 : i32
    %dma_start3A_1051 = tpu.memref_slice %arg9[%dma_start3A_1049, %dma_start3A_1050] : memref<79x128xi32, #tpu.memory_space<vmem>> -> memref<1x128xi32, #tpu.memory_space<vmem>>
    %dma_start3A_1052 = tpu.memref_squeeze %dma_start3A_1051 : memref<1x128xi32, #tpu.memory_space<vmem>> -> memref<128xi32, #tpu.memory_space<vmem>>
    %dma_start3A_1053 = arith.constant 0 : i32
    %dma_start3A_1054 = arith.constant 0 : i32
    %dma_start3A_1055 = tpu.memref_slice %arg11[%dma_start3A_1053, %dma_start3A_1054] : memref<256x128xf32, #tpu.memory_space<vmem_shared>> -> memref<256x128xf32, #tpu.memory_space<vmem_shared>>
    tpu.enqueue_indirect_dma source(%arg5 : memref<128x128xf32, #tpu.memory_space<vmem>>) target(%dma_start3A_1055 : memref<256x128xf32, #tpu.memory_space<vmem_shared>>) offsets(%dma_start3A_1052 : memref<128xi32, #tpu.memory_space<vmem>>) semaphore(%arg17 : memref<!tpu.dma_semaphore, #tpu.memory_space<semaphore_mem>>) {add = true}
    %add3A_1056 = arith.constant 384 : i32
    %add3A_1057 = arith.addi %mul3A_2, %add3A_1056 : i32
    %dma_start3A_1058 = arith.constant 0 : i32
    %dma_start3A_1059 = tpu.memref_slice %arg2[%add3A_1057, %dma_start3A_1058] : memref<320000x128xf32, #tpu.memory_space<hbm>> -> memref<128x128xf32, #tpu.memory_space<hbm>>
    %dma_start3A_1060 = arith.constant 0 : i32
    %dma_start3A_1061 = tpu.memref_slice %arg2[%add3A_1057, %dma_start3A_1060] : memref<320000x128xf32, #tpu.memory_space<hbm>> -> memref<128x128xf32, #tpu.memory_space<hbm>>
    tpu.enqueue_dma source(%dma_start3A_1061 : memref<128x128xf32, #tpu.memory_space<hbm>>) target(%arg8 : memref<128x128xf32, #tpu.memory_space<vmem>>) target_semaphore(%arg16 : memref<!tpu.dma_semaphore, #tpu.memory_space<semaphore_mem>>)
    %add3A_1062 = arith.constant 128 : i32
    %add3A_1063 = arith.addi %mul3A_2, %add3A_1062 : i32
    %dma_wait3A_1064 = arith.constant 0 : i32
    %dma_wait3A_1065 = tpu.memref_slice %arg2[%add3A_1063, %dma_wait3A_1064] : memref<320000x128xf32, #tpu.memory_space<hbm>> -> memref<128x128xf32, #tpu.memory_space<hbm>>
    %dma_wait3A_1066 = arith.constant 0 : i32
    %dma_wait3A_1067 = tpu.memref_slice %arg2[%add3A_1063, %dma_wait3A_1066] : memref<320000x128xf32, #tpu.memory_space<hbm>> -> memref<128x128xf32, #tpu.memory_space<hbm>>
    tpu.wait_dma2 semaphore(%arg14 : memref<!tpu.dma_semaphore, #tpu.memory_space<semaphore_mem>>) src(%dma_wait3A_1067 : memref<128x128xf32, #tpu.memory_space<hbm>>) dst(%arg6 : memref<128x128xf32, #tpu.memory_space<vmem>>)
    %dma_start3A_1068 = arith.constant 1 : i32
    %dma_start3A_1069 = arith.constant 0 : i32
    %dma_start3A_1070 = tpu.memref_slice %arg9[%dma_start3A_1068, %dma_start3A_1069] : memref<79x128xi32, #tpu.memory_space<vmem>> -> memref<1x128xi32, #tpu.memory_space<vmem>>
    %dma_start3A_1071 = tpu.memref_squeeze %dma_start3A_1070 : memref<1x128xi32, #tpu.memory_space<vmem>> -> memref<128xi32, #tpu.memory_space<vmem>>
    %dma_start3A_1072 = arith.constant 0 : i32
    %dma_start3A_1073 = arith.constant 0 : i32
    %dma_start3A_1074 = tpu.memref_slice %arg12[%dma_start3A_1072, %dma_start3A_1073] : memref<256x128xf32, #tpu.memory_space<vmem_shared>> -> memref<256x128xf32, #tpu.memory_space<vmem_shared>>
    tpu.enqueue_indirect_dma source(%arg6 : memref<128x128xf32, #tpu.memory_space<vmem>>) target(%dma_start3A_1074 : memref<256x128xf32, #tpu.memory_space<vmem_shared>>) offsets(%dma_start3A_1071 : memref<128xi32, #tpu.memory_space<vmem>>) semaphore(%arg18 : memref<!tpu.dma_semaphore, #tpu.memory_space<semaphore_mem>>) {add = true}
    %dma_wait3A_1075 = arith.constant 0 : i32
    %dma_wait3A_1076 = arith.constant 0 : i32
    %dma_wait3A_1077 = tpu.memref_slice %arg9[%dma_wait3A_1075, %dma_wait3A_1076] : memref<79x128xi32, #tpu.memory_space<vmem>> -> memref<1x128xi32, #tpu.memory_space<vmem>>
    %dma_wait3A_1078 = tpu.memref_squeeze %dma_wait3A_1077 : memref<1x128xi32, #tpu.memory_space<vmem>> -> memref<128xi32, #tpu.memory_space<vmem>>
    %dma_wait3A_1079 = arith.constant 0 : i32
    %dma_wait3A_1080 = arith.constant 0 : i32
    %dma_wait3A_1081 = tpu.memref_slice %arg11[%dma_wait3A_1079, %dma_wait3A_1080] : memref<256x128xf32, #tpu.memory_space<vmem_shared>> -> memref<256x128xf32, #tpu.memory_space<vmem_shared>>
    tpu.wait_indirect_dma semaphore(%arg17 : memref<!tpu.dma_semaphore, #tpu.memory_space<semaphore_mem>>) src(%arg5 : memref<128x128xf32, #tpu.memory_space<vmem>>) dst(%dma_wait3A_1081 : memref<256x128xf32, #tpu.memory_space<vmem_shared>>)
    %add3A_1082 = arith.constant 512 : i32
    %add3A_1083 = arith.addi %mul3A_2, %add3A_1082 : i32
    %dma_start3A_1084 = arith.constant 0 : i32
    %dma_start3A_1085 = tpu.memref_slice %arg2[%add3A_1083, %dma_start3A_1084] : memref<320000x128xf32, #tpu.memory_space<hbm>> -> memref<128x128xf32, #tpu.memory_space<hbm>>
    %dma_start3A_1086 = arith.constant 0 : i32
    %dma_start3A_1087 = tpu.memref_slice %arg2[%add3A_1083, %dma_start3A_1086] : memref<320000x128xf32, #tpu.memory_space<hbm>> -> memref<128x128xf32, #tpu.memory_space<hbm>>
    tpu.enqueue_dma source(%dma_start3A_1087 : memref<128x128xf32, #tpu.memory_space<hbm>>) target(%arg5 : memref<128x128xf32, #tpu.memory_space<vmem>>) target_semaphore(%arg13 : memref<!tpu.dma_semaphore, #tpu.memory_space<semaphore_mem>>)
    %add3A_1088 = arith.constant 256 : i32
    %add3A_1089 = arith.addi %mul3A_2, %add3A_1088 : i32
    %dma_wait3A_1090 = arith.constant 0 : i32
    %dma_wait3A_1091 = tpu.memref_slice %arg2[%add3A_1089, %dma_wait3A_1090] : memref<320000x128xf32, #tpu.memory_space<hbm>> -> memref<128x128xf32, #tpu.memory_space<hbm>>
    %dma_wait3A_1092 = arith.constant 0 : i32
    %dma_wait3A_1093 = tpu.memref_slice %arg2[%add3A_1089, %dma_wait3A_1092] : memref<320000x128xf32, #tpu.memory_space<hbm>> -> memref<128x128xf32, #tpu.memory_space<hbm>>
    tpu.wait_dma2 semaphore(%arg15 : memref<!tpu.dma_semaphore, #tpu.memory_space<semaphore_mem>>) src(%dma_wait3A_1093 : memref<128x128xf32, #tpu.memory_space<hbm>>) dst(%arg7 : memref<128x128xf32, #tpu.memory_space<vmem>>)
    %dma_start3A_1094 = arith.constant 2 : i32
    %dma_start3A_1095 = arith.constant 0 : i32
    %dma_start3A_1096 = tpu.memref_slice %arg9[%dma_start3A_1094, %dma_start3A_1095] : memref<79x128xi32, #tpu.memory_space<vmem>> -> memref<1x128xi32, #tpu.memory_space<vmem>>
    %dma_start3A_1097 = tpu.memref_squeeze %dma_start3A_1096 : memref<1x128xi32, #tpu.memory_space<vmem>> -> memref<128xi32, #tpu.memory_space<vmem>>
    %dma_start3A_1098 = arith.constant 0 : i32
    %dma_start3A_1099 = arith.constant 0 : i32
    %dma_start3A_1100 = tpu.memref_slice %arg11[%dma_start3A_1098, %dma_start3A_1099] : memref<256x128xf32, #tpu.memory_space<vmem_shared>> -> memref<256x128xf32, #tpu.memory_space<vmem_shared>>
    tpu.enqueue_indirect_dma source(%arg7 : memref<128x128xf32, #tpu.memory_space<vmem>>) target(%dma_start3A_1100 : memref<256x128xf32, #tpu.memory_space<vmem_shared>>) offsets(%dma_start3A_1097 : memref<128xi32, #tpu.memory_space<vmem>>) semaphore(%arg19 : memref<!tpu.dma_semaphore, #tpu.memory_space<semaphore_mem>>) {add = true}
    %dma_wait3A_1101 = arith.constant 1 : i32
    %dma_wait3A_1102 = arith.constant 0 : i32
    %dma_wait3A_1103 = tpu.memref_slice %arg9[%dma_wait3A_1101, %dma_wait3A_1102] : memref<79x128xi32, #tpu.memory_space<vmem>> -> memref<1x128xi32, #tpu.memory_space<vmem>>
    %dma_wait3A_1104 = tpu.memref_squeeze %dma_wait3A_1103 : memref<1x128xi32, #tpu.memory_space<vmem>> -> memref<128xi32, #tpu.memory_space<vmem>>
    %dma_wait3A_1105 = arith.constant 0 : i32
    %dma_wait3A_1106 = arith.constant 0 : i32
    %dma_wait3A_1107 = tpu.memref_slice %arg12[%dma_wait3A_1105, %dma_wait3A_1106] : memref<256x128xf32, #tpu.memory_space<vmem_shared>> -> memref<256x128xf32, #tpu.memory_space<vmem_shared>>
    tpu.wait_indirect_dma semaphore(%arg18 : memref<!tpu.dma_semaphore, #tpu.memory_space<semaphore_mem>>) src(%arg6 : memref<128x128xf32, #tpu.memory_space<vmem>>) dst(%dma_wait3A_1107 : memref<256x128xf32, #tpu.memory_space<vmem_shared>>)
    %add3A_1108 = arith.constant 640 : i32
    %add3A_1109 = arith.addi %mul3A_2, %add3A_1108 : i32
    %dma_start3A_1110 = arith.constant 0 : i32
    %dma_start3A_1111 = tpu.memref_slice %arg2[%add3A_1109, %dma_start3A_1110] : memref<320000x128xf32, #tpu.memory_space<hbm>> -> memref<128x128xf32, #tpu.memory_space<hbm>>
    %dma_start3A_1112 = arith.constant 0 : i32
    %dma_start3A_1113 = tpu.memref_slice %arg2[%add3A_1109, %dma_start3A_1112] : memref<320000x128xf32, #tpu.memory_space<hbm>> -> memref<128x128xf32, #tpu.memory_space<hbm>>
    tpu.enqueue_dma source(%dma_start3A_1113 : memref<128x128xf32, #tpu.memory_space<hbm>>) target(%arg6 : memref<128x128xf32, #tpu.memory_space<vmem>>) target_semaphore(%arg14 : memref<!tpu.dma_semaphore, #tpu.memory_space<semaphore_mem>>)
    %add3A_1114 = arith.constant 384 : i32
    %add3A_1115 = arith.addi %mul3A_2, %add3A_1114 : i32
    %dma_wait3A_1116 = arith.constant 0 : i32
    %dma_wait3A_1117 = tpu.memref_slice %arg2[%add3A_1115, %dma_wait3A_1116] : memref<320000x128xf32, #tpu.memory_space<hbm>> -> memref<128x128xf32, #tpu.memory_space<hbm>>
    %dma_wait3A_1118 = arith.constant 0 : i32
    %dma_wait3A_1119 = tpu.memref_slice %arg2[%add3A_1115, %dma_wait3A_1118] : memref<320000x128xf32, #tpu.memory_space<hbm>> -> memref<128x128xf32, #tpu.memory_space<hbm>>
    tpu.wait_dma2 semaphore(%arg16 : memref<!tpu.dma_semaphore, #tpu.memory_space<semaphore_mem>>) src(%dma_wait3A_1119 : memref<128x128xf32, #tpu.memory_space<hbm>>) dst(%arg8 : memref<128x128xf32, #tpu.memory_space<vmem>>)
    %dma_start3A_1120 = arith.constant 3 : i32
    %dma_start3A_1121 = arith.constant 0 : i32
    %dma_start3A_1122 = tpu.memref_slice %arg9[%dma_start3A_1120, %dma_start3A_1121] : memref<79x128xi32, #tpu.memory_space<vmem>> -> memref<1x128xi32, #tpu.memory_space<vmem>>
    %dma_start3A_1123 = tpu.memref_squeeze %dma_start3A_1122 : memref<1x128xi32, #tpu.memory_space<vmem>> -> memref<128xi32, #tpu.memory_space<vmem>>
    %dma_start3A_1124 = arith.constant 0 : i32
    %dma_start3A_1125 = arith.constant 0 : i32
    %dma_start3A_1126 = tpu.memref_slice %arg12[%dma_start3A_1124, %dma_start3A_1125] : memref<256x128xf32, #tpu.memory_space<vmem_shared>> -> memref<256x128xf32, #tpu.memory_space<vmem_shared>>
    tpu.enqueue_indirect_dma source(%arg8 : memref<128x128xf32, #tpu.memory_space<vmem>>) target(%dma_start3A_1126 : memref<256x128xf32, #tpu.memory_space<vmem_shared>>) offsets(%dma_start3A_1123 : memref<128xi32, #tpu.memory_space<vmem>>) semaphore(%arg20 : memref<!tpu.dma_semaphore, #tpu.memory_space<semaphore_mem>>) {add = true}
    %dma_wait3A_1127 = arith.constant 2 : i32
    %dma_wait3A_1128 = arith.constant 0 : i32
    %dma_wait3A_1129 = tpu.memref_slice %arg9[%dma_wait3A_1127, %dma_wait3A_1128] : memref<79x128xi32, #tpu.memory_space<vmem>> -> memref<1x128xi32, #tpu.memory_space<vmem>>
    %dma_wait3A_1130 = tpu.memref_squeeze %dma_wait3A_1129 : memref<1x128xi32, #tpu.memory_space<vmem>> -> memref<128xi32, #tpu.memory_space<vmem>>
    %dma_wait3A_1131 = arith.constant 0 : i32
    %dma_wait3A_1132 = arith.constant 0 : i32
    %dma_wait3A_1133 = tpu.memref_slice %arg11[%dma_wait3A_1131, %dma_wait3A_1132] : memref<256x128xf32, #tpu.memory_space<vmem_shared>> -> memref<256x128xf32, #tpu.memory_space<vmem_shared>>
    tpu.wait_indirect_dma semaphore(%arg19 : memref<!tpu.dma_semaphore, #tpu.memory_space<semaphore_mem>>) src(%arg7 : memref<128x128xf32, #tpu.memory_space<vmem>>) dst(%dma_wait3A_1133 : memref<256x128xf32, #tpu.memory_space<vmem_shared>>)
    %add3A_1134 = arith.constant 768 : i32
    %add3A_1135 = arith.addi %mul3A_2, %add3A_1134 : i32
    %dma_start3A_1136 = arith.constant 0 : i32
    %dma_start3A_1137 = tpu.memref_slice %arg2[%add3A_1135, %dma_start3A_1136] : memref<320000x128xf32, #tpu.memory_space<hbm>> -> memref<128x128xf32, #tpu.memory_space<hbm>>
    %dma_start3A_1138 = arith.constant 0 : i32
    %dma_start3A_1139 = tpu.memref_slice %arg2[%add3A_1135, %dma_start3A_1138] : memref<320000x128xf32, #tpu.memory_space<hbm>> -> memref<128x128xf32, #tpu.memory_space<hbm>>
    tpu.enqueue_dma source(%dma_start3A_1139 : memref<128x128xf32, #tpu.memory_space<hbm>>) target(%arg7 : memref<128x128xf32, #tpu.memory_space<vmem>>) target_semaphore(%arg15 : memref<!tpu.dma_semaphore, #tpu.memory_space<semaphore_mem>>)
    %scan3A = arith.constant 0 : i32
    %scan3A_1140 = arith.constant 1 : i32
    %scan3A_1141 = arith.constant 18 : i32
    %scan3A_1142 = arith.addi %scan3A_1140, %scan3A_1141 : i32
    %scan3A_1143 = arith.constant 1 : i32
    scf.for %scan3A_1196 = %scan3A_1140 to %scan3A_1142 step %scan3A_1143  : i32 {
      %mul3A_1197 = arith.constant 4 : i32
      %mul3A_1198 = arith.muli %mul3A_1197, %scan3A_1196 : i32
      %add3A_1199 = arith.constant 0 : i32
      %add3A_1200 = arith.addi %mul3A_1198, %add3A_1199 : i32
      %mul3A_1201 = arith.constant 128 : i32
      %mul3A_1202 = arith.muli %add3A_1200, %mul3A_1201 : i32
      %add3A_1203 = arith.addi %mul3A_2, %mul3A_1202 : i32
      %dma_wait3A_1204 = arith.constant 0 : i32
      %dma_wait3A_1205 = tpu.memref_slice %arg2[%add3A_1203, %dma_wait3A_1204] : memref<320000x128xf32, #tpu.memory_space<hbm>> -> memref<128x128xf32, #tpu.memory_space<hbm>>
      %dma_wait3A_1206 = arith.constant 0 : i32
      %dma_wait3A_1207 = tpu.memref_slice %arg2[%add3A_1203, %dma_wait3A_1206] : memref<320000x128xf32, #tpu.memory_space<hbm>> -> memref<128x128xf32, #tpu.memory_space<hbm>>
      tpu.wait_dma2 semaphore(%arg13 : memref<!tpu.dma_semaphore, #tpu.memory_space<semaphore_mem>>) src(%dma_wait3A_1207 : memref<128x128xf32, #tpu.memory_space<hbm>>) dst(%arg5 : memref<128x128xf32, #tpu.memory_space<vmem>>)
      %dma_start3A_1208 = arith.constant 0 : i32
      %dma_start3A_1209 = tpu.memref_slice %arg9[%add3A_1200, %dma_start3A_1208] : memref<79x128xi32, #tpu.memory_space<vmem>> -> memref<1x128xi32, #tpu.memory_space<vmem>>
      %dma_start3A_1210 = tpu.memref_squeeze %dma_start3A_1209 : memref<1x128xi32, #tpu.memory_space<vmem>> -> memref<128xi32, #tpu.memory_space<vmem>>
      %dma_start3A_1211 = arith.constant 0 : i32
      %dma_start3A_1212 = arith.constant 0 : i32
      %dma_start3A_1213 = tpu.memref_slice %arg11[%dma_start3A_1211, %dma_start3A_1212] : memref<256x128xf32, #tpu.memory_space<vmem_shared>> -> memref<256x128xf32, #tpu.memory_space<vmem_shared>>
      tpu.enqueue_indirect_dma source(%arg5 : memref<128x128xf32, #tpu.memory_space<vmem>>) target(%dma_start3A_1213 : memref<256x128xf32, #tpu.memory_space<vmem_shared>>) offsets(%dma_start3A_1210 : memref<128xi32, #tpu.memory_space<vmem>>) semaphore(%arg17 : memref<!tpu.dma_semaphore, #tpu.memory_space<semaphore_mem>>) {add = true}
      %sub3A = arith.constant 1 : i32
      %sub3A_1214 = arith.subi %add3A_1200, %sub3A : i32
      %dma_wait3A_1215 = arith.constant 0 : i32
      %dma_wait3A_1216 = tpu.memref_slice %arg9[%sub3A_1214, %dma_wait3A_1215] : memref<79x128xi32, #tpu.memory_space<vmem>> -> memref<1x128xi32, #tpu.memory_space<vmem>>
      %dma_wait3A_1217 = tpu.memref_squeeze %dma_wait3A_1216 : memref<1x128xi32, #tpu.memory_space<vmem>> -> memref<128xi32, #tpu.memory_space<vmem>>
      %dma_wait3A_1218 = arith.constant 0 : i32
      %dma_wait3A_1219 = arith.constant 0 : i32
      %dma_wait3A_1220 = tpu.memref_slice %arg12[%dma_wait3A_1218, %dma_wait3A_1219] : memref<256x128xf32, #tpu.memory_space<vmem_shared>> -> memref<256x128xf32, #tpu.memory_space<vmem_shared>>
      tpu.wait_indirect_dma semaphore(%arg20 : memref<!tpu.dma_semaphore, #tpu.memory_space<semaphore_mem>>) src(%arg8 : memref<128x128xf32, #tpu.memory_space<vmem>>) dst(%dma_wait3A_1220 : memref<256x128xf32, #tpu.memory_space<vmem_shared>>)
      %add3A_1221 = arith.constant 3 : i32
      %add3A_1222 = arith.addi %add3A_1200, %add3A_1221 : i32
      %lt3A_1223 = arith.constant 78 : i32
      %lt3A_1224 = arith.cmpi slt, %add3A_1222, %lt3A_1223 : i32
      %convert_element_type3A_1225 = arith.extui %lt3A_1224 : i1 to i32
      %cond3A_1226 = arith.constant 0 : i32
      %cond3A_1227 = arith.cmpi ne, %convert_element_type3A_1225, %cond3A_1226 : i32
      scf.if %cond3A_1227 {
        %add3A_1318 = arith.constant 3 : i32
        %add3A_1319 = arith.addi %add3A_1200, %add3A_1318 : i32
        %mul3A_1320 = arith.constant 128 : i32
        %mul3A_1321 = arith.muli %add3A_1319, %mul3A_1320 : i32
        %add3A_1322 = arith.addi %mul3A_2, %mul3A_1321 : i32
        %dma_start3A_1323 = arith.constant 0 : i32
        %dma_start3A_1324 = tpu.memref_slice %arg2[%add3A_1322, %dma_start3A_1323] : memref<320000x128xf32, #tpu.memory_space<hbm>> -> memref<128x128xf32, #tpu.memory_space<hbm>>
        %dma_start3A_1325 = arith.constant 0 : i32
        %dma_start3A_1326 = tpu.memref_slice %arg2[%add3A_1322, %dma_start3A_1325] : memref<320000x128xf32, #tpu.memory_space<hbm>> -> memref<128x128xf32, #tpu.memory_space<hbm>>
        tpu.enqueue_dma source(%dma_start3A_1326 : memref<128x128xf32, #tpu.memory_space<hbm>>) target(%arg8 : memref<128x128xf32, #tpu.memory_space<vmem>>) target_semaphore(%arg16 : memref<!tpu.dma_semaphore, #tpu.memory_space<semaphore_mem>>)
      } else {
      }
      %add3A_1228 = arith.constant 1 : i32
      %add3A_1229 = arith.addi %mul3A_1198, %add3A_1228 : i32
      %mul3A_1230 = arith.constant 128 : i32
      %mul3A_1231 = arith.muli %add3A_1229, %mul3A_1230 : i32
      %add3A_1232 = arith.addi %mul3A_2, %mul3A_1231 : i32
      %dma_wait3A_1233 = arith.constant 0 : i32
      %dma_wait3A_1234 = tpu.memref_slice %arg2[%add3A_1232, %dma_wait3A_1233] : memref<320000x128xf32, #tpu.memory_space<hbm>> -> memref<128x128xf32, #tpu.memory_space<hbm>>
      %dma_wait3A_1235 = arith.constant 0 : i32
      %dma_wait3A_1236 = tpu.memref_slice %arg2[%add3A_1232, %dma_wait3A_1235] : memref<320000x128xf32, #tpu.memory_space<hbm>> -> memref<128x128xf32, #tpu.memory_space<hbm>>
      tpu.wait_dma2 semaphore(%arg14 : memref<!tpu.dma_semaphore, #tpu.memory_space<semaphore_mem>>) src(%dma_wait3A_1236 : memref<128x128xf32, #tpu.memory_space<hbm>>) dst(%arg6 : memref<128x128xf32, #tpu.memory_space<vmem>>)
      %dma_start3A_1237 = arith.constant 0 : i32
      %dma_start3A_1238 = tpu.memref_slice %arg9[%add3A_1229, %dma_start3A_1237] : memref<79x128xi32, #tpu.memory_space<vmem>> -> memref<1x128xi32, #tpu.memory_space<vmem>>
      %dma_start3A_1239 = tpu.memref_squeeze %dma_start3A_1238 : memref<1x128xi32, #tpu.memory_space<vmem>> -> memref<128xi32, #tpu.memory_space<vmem>>
      %dma_start3A_1240 = arith.constant 0 : i32
      %dma_start3A_1241 = arith.constant 0 : i32
      %dma_start3A_1242 = tpu.memref_slice %arg12[%dma_start3A_1240, %dma_start3A_1241] : memref<256x128xf32, #tpu.memory_space<vmem_shared>> -> memref<256x128xf32, #tpu.memory_space<vmem_shared>>
      tpu.enqueue_indirect_dma source(%arg6 : memref<128x128xf32, #tpu.memory_space<vmem>>) target(%dma_start3A_1242 : memref<256x128xf32, #tpu.memory_space<vmem_shared>>) offsets(%dma_start3A_1239 : memref<128xi32, #tpu.memory_space<vmem>>) semaphore(%arg18 : memref<!tpu.dma_semaphore, #tpu.memory_space<semaphore_mem>>) {add = true}
      %sub3A_1243 = arith.constant 1 : i32
      %sub3A_1244 = arith.subi %add3A_1229, %sub3A_1243 : i32
      %dma_wait3A_1245 = arith.constant 0 : i32
      %dma_wait3A_1246 = tpu.memref_slice %arg9[%sub3A_1244, %dma_wait3A_1245] : memref<79x128xi32, #tpu.memory_space<vmem>> -> memref<1x128xi32, #tpu.memory_space<vmem>>
      %dma_wait3A_1247 = tpu.memref_squeeze %dma_wait3A_1246 : memref<1x128xi32, #tpu.memory_space<vmem>> -> memref<128xi32, #tpu.memory_space<vmem>>
      %dma_wait3A_1248 = arith.constant 0 : i32
      %dma_wait3A_1249 = arith.constant 0 : i32
      %dma_wait3A_1250 = tpu.memref_slice %arg11[%dma_wait3A_1248, %dma_wait3A_1249] : memref<256x128xf32, #tpu.memory_space<vmem_shared>> -> memref<256x128xf32, #tpu.memory_space<vmem_shared>>
      tpu.wait_indirect_dma semaphore(%arg17 : memref<!tpu.dma_semaphore, #tpu.memory_space<semaphore_mem>>) src(%arg5 : memref<128x128xf32, #tpu.memory_space<vmem>>) dst(%dma_wait3A_1250 : memref<256x128xf32, #tpu.memory_space<vmem_shared>>)
      %add3A_1251 = arith.constant 3 : i32
      %add3A_1252 = arith.addi %add3A_1229, %add3A_1251 : i32
      %lt3A_1253 = arith.constant 78 : i32
      %lt3A_1254 = arith.cmpi slt, %add3A_1252, %lt3A_1253 : i32
      %convert_element_type3A_1255 = arith.extui %lt3A_1254 : i1 to i32
      %cond3A_1256 = arith.constant 0 : i32
      %cond3A_1257 = arith.cmpi ne, %convert_element_type3A_1255, %cond3A_1256 : i32
      scf.if %cond3A_1257 {
        %add3A_1318 = arith.constant 3 : i32
        %add3A_1319 = arith.addi %add3A_1229, %add3A_1318 : i32
        %mul3A_1320 = arith.constant 128 : i32
        %mul3A_1321 = arith.muli %add3A_1319, %mul3A_1320 : i32
        %add3A_1322 = arith.addi %mul3A_2, %mul3A_1321 : i32
        %dma_start3A_1323 = arith.constant 0 : i32
        %dma_start3A_1324 = tpu.memref_slice %arg2[%add3A_1322, %dma_start3A_1323] : memref<320000x128xf32, #tpu.memory_space<hbm>> -> memref<128x128xf32, #tpu.memory_space<hbm>>
        %dma_start3A_1325 = arith.constant 0 : i32
        %dma_start3A_1326 = tpu.memref_slice %arg2[%add3A_1322, %dma_start3A_1325] : memref<320000x128xf32, #tpu.memory_space<hbm>> -> memref<128x128xf32, #tpu.memory_space<hbm>>
        tpu.enqueue_dma source(%dma_start3A_1326 : memref<128x128xf32, #tpu.memory_space<hbm>>) target(%arg5 : memref<128x128xf32, #tpu.memory_space<vmem>>) target_semaphore(%arg13 : memref<!tpu.dma_semaphore, #tpu.memory_space<semaphore_mem>>)
      } else {
      }
      %add3A_1258 = arith.constant 2 : i32
      %add3A_1259 = arith.addi %mul3A_1198, %add3A_1258 : i32
      %mul3A_1260 = arith.constant 128 : i32
      %mul3A_1261 = arith.muli %add3A_1259, %mul3A_1260 : i32
      %add3A_1262 = arith.addi %mul3A_2, %mul3A_1261 : i32
      %dma_wait3A_1263 = arith.constant 0 : i32
      %dma_wait3A_1264 = tpu.memref_slice %arg2[%add3A_1262, %dma_wait3A_1263] : memref<320000x128xf32, #tpu.memory_space<hbm>> -> memref<128x128xf32, #tpu.memory_space<hbm>>
      %dma_wait3A_1265 = arith.constant 0 : i32
      %dma_wait3A_1266 = tpu.memref_slice %arg2[%add3A_1262, %dma_wait3A_1265] : memref<320000x128xf32, #tpu.memory_space<hbm>> -> memref<128x128xf32, #tpu.memory_space<hbm>>
      tpu.wait_dma2 semaphore(%arg15 : memref<!tpu.dma_semaphore, #tpu.memory_space<semaphore_mem>>) src(%dma_wait3A_1266 : memref<128x128xf32, #tpu.memory_space<hbm>>) dst(%arg7 : memref<128x128xf32, #tpu.memory_space<vmem>>)
      %dma_start3A_1267 = arith.constant 0 : i32
      %dma_start3A_1268 = tpu.memref_slice %arg9[%add3A_1259, %dma_start3A_1267] : memref<79x128xi32, #tpu.memory_space<vmem>> -> memref<1x128xi32, #tpu.memory_space<vmem>>
      %dma_start3A_1269 = tpu.memref_squeeze %dma_start3A_1268 : memref<1x128xi32, #tpu.memory_space<vmem>> -> memref<128xi32, #tpu.memory_space<vmem>>
      %dma_start3A_1270 = arith.constant 0 : i32
      %dma_start3A_1271 = arith.constant 0 : i32
      %dma_start3A_1272 = tpu.memref_slice %arg11[%dma_start3A_1270, %dma_start3A_1271] : memref<256x128xf32, #tpu.memory_space<vmem_shared>> -> memref<256x128xf32, #tpu.memory_space<vmem_shared>>
      tpu.enqueue_indirect_dma source(%arg7 : memref<128x128xf32, #tpu.memory_space<vmem>>) target(%dma_start3A_1272 : memref<256x128xf32, #tpu.memory_space<vmem_shared>>) offsets(%dma_start3A_1269 : memref<128xi32, #tpu.memory_space<vmem>>) semaphore(%arg19 : memref<!tpu.dma_semaphore, #tpu.memory_space<semaphore_mem>>) {add = true}
      %sub3A_1273 = arith.constant 1 : i32
      %sub3A_1274 = arith.subi %add3A_1259, %sub3A_1273 : i32
      %dma_wait3A_1275 = arith.constant 0 : i32
      %dma_wait3A_1276 = tpu.memref_slice %arg9[%sub3A_1274, %dma_wait3A_1275] : memref<79x128xi32, #tpu.memory_space<vmem>> -> memref<1x128xi32, #tpu.memory_space<vmem>>
      %dma_wait3A_1277 = tpu.memref_squeeze %dma_wait3A_1276 : memref<1x128xi32, #tpu.memory_space<vmem>> -> memref<128xi32, #tpu.memory_space<vmem>>
      %dma_wait3A_1278 = arith.constant 0 : i32
      %dma_wait3A_1279 = arith.constant 0 : i32
      %dma_wait3A_1280 = tpu.memref_slice %arg12[%dma_wait3A_1278, %dma_wait3A_1279] : memref<256x128xf32, #tpu.memory_space<vmem_shared>> -> memref<256x128xf32, #tpu.memory_space<vmem_shared>>
      tpu.wait_indirect_dma semaphore(%arg18 : memref<!tpu.dma_semaphore, #tpu.memory_space<semaphore_mem>>) src(%arg6 : memref<128x128xf32, #tpu.memory_space<vmem>>) dst(%dma_wait3A_1280 : memref<256x128xf32, #tpu.memory_space<vmem_shared>>)
      %add3A_1281 = arith.constant 3 : i32
      %add3A_1282 = arith.addi %add3A_1259, %add3A_1281 : i32
      %lt3A_1283 = arith.constant 78 : i32
      %lt3A_1284 = arith.cmpi slt, %add3A_1282, %lt3A_1283 : i32
      %convert_element_type3A_1285 = arith.extui %lt3A_1284 : i1 to i32
      %cond3A_1286 = arith.constant 0 : i32
      %cond3A_1287 = arith.cmpi ne, %convert_element_type3A_1285, %cond3A_1286 : i32
      scf.if %cond3A_1287 {
        %add3A_1318 = arith.constant 3 : i32
        %add3A_1319 = arith.addi %add3A_1259, %add3A_1318 : i32
        %mul3A_1320 = arith.constant 128 : i32
        %mul3A_1321 = arith.muli %add3A_1319, %mul3A_1320 : i32
        %add3A_1322 = arith.addi %mul3A_2, %mul3A_1321 : i32
        %dma_start3A_1323 = arith.constant 0 : i32
        %dma_start3A_1324 = tpu.memref_slice %arg2[%add3A_1322, %dma_start3A_1323] : memref<320000x128xf32, #tpu.memory_space<hbm>> -> memref<128x128xf32, #tpu.memory_space<hbm>>
        %dma_start3A_1325 = arith.constant 0 : i32
        %dma_start3A_1326 = tpu.memref_slice %arg2[%add3A_1322, %dma_start3A_1325] : memref<320000x128xf32, #tpu.memory_space<hbm>> -> memref<128x128xf32, #tpu.memory_space<hbm>>
        tpu.enqueue_dma source(%dma_start3A_1326 : memref<128x128xf32, #tpu.memory_space<hbm>>) target(%arg6 : memref<128x128xf32, #tpu.memory_space<vmem>>) target_semaphore(%arg14 : memref<!tpu.dma_semaphore, #tpu.memory_space<semaphore_mem>>)
      } else {
      }
      %add3A_1288 = arith.constant 3 : i32
      %add3A_1289 = arith.addi %mul3A_1198, %add3A_1288 : i32
      %mul3A_1290 = arith.constant 128 : i32
      %mul3A_1291 = arith.muli %add3A_1289, %mul3A_1290 : i32
      %add3A_1292 = arith.addi %mul3A_2, %mul3A_1291 : i32
      %dma_wait3A_1293 = arith.constant 0 : i32
      %dma_wait3A_1294 = tpu.memref_slice %arg2[%add3A_1292, %dma_wait3A_1293] : memref<320000x128xf32, #tpu.memory_space<hbm>> -> memref<128x128xf32, #tpu.memory_space<hbm>>
      %dma_wait3A_1295 = arith.constant 0 : i32
      %dma_wait3A_1296 = tpu.memref_slice %arg2[%add3A_1292, %dma_wait3A_1295] : memref<320000x128xf32, #tpu.memory_space<hbm>> -> memref<128x128xf32, #tpu.memory_space<hbm>>
      tpu.wait_dma2 semaphore(%arg16 : memref<!tpu.dma_semaphore, #tpu.memory_space<semaphore_mem>>) src(%dma_wait3A_1296 : memref<128x128xf32, #tpu.memory_space<hbm>>) dst(%arg8 : memref<128x128xf32, #tpu.memory_space<vmem>>)
      %dma_start3A_1297 = arith.constant 0 : i32
      %dma_start3A_1298 = tpu.memref_slice %arg9[%add3A_1289, %dma_start3A_1297] : memref<79x128xi32, #tpu.memory_space<vmem>> -> memref<1x128xi32, #tpu.memory_space<vmem>>
      %dma_start3A_1299 = tpu.memref_squeeze %dma_start3A_1298 : memref<1x128xi32, #tpu.memory_space<vmem>> -> memref<128xi32, #tpu.memory_space<vmem>>
      %dma_start3A_1300 = arith.constant 0 : i32
      %dma_start3A_1301 = arith.constant 0 : i32
      %dma_start3A_1302 = tpu.memref_slice %arg12[%dma_start3A_1300, %dma_start3A_1301] : memref<256x128xf32, #tpu.memory_space<vmem_shared>> -> memref<256x128xf32, #tpu.memory_space<vmem_shared>>
      tpu.enqueue_indirect_dma source(%arg8 : memref<128x128xf32, #tpu.memory_space<vmem>>) target(%dma_start3A_1302 : memref<256x128xf32, #tpu.memory_space<vmem_shared>>) offsets(%dma_start3A_1299 : memref<128xi32, #tpu.memory_space<vmem>>) semaphore(%arg20 : memref<!tpu.dma_semaphore, #tpu.memory_space<semaphore_mem>>) {add = true}
      %sub3A_1303 = arith.constant 1 : i32
      %sub3A_1304 = arith.subi %add3A_1289, %sub3A_1303 : i32
      %dma_wait3A_1305 = arith.constant 0 : i32
      %dma_wait3A_1306 = tpu.memref_slice %arg9[%sub3A_1304, %dma_wait3A_1305] : memref<79x128xi32, #tpu.memory_space<vmem>> -> memref<1x128xi32, #tpu.memory_space<vmem>>
      %dma_wait3A_1307 = tpu.memref_squeeze %dma_wait3A_1306 : memref<1x128xi32, #tpu.memory_space<vmem>> -> memref<128xi32, #tpu.memory_space<vmem>>
      %dma_wait3A_1308 = arith.constant 0 : i32
      %dma_wait3A_1309 = arith.constant 0 : i32
      %dma_wait3A_1310 = tpu.memref_slice %arg11[%dma_wait3A_1308, %dma_wait3A_1309] : memref<256x128xf32, #tpu.memory_space<vmem_shared>> -> memref<256x128xf32, #tpu.memory_space<vmem_shared>>
      tpu.wait_indirect_dma semaphore(%arg19 : memref<!tpu.dma_semaphore, #tpu.memory_space<semaphore_mem>>) src(%arg7 : memref<128x128xf32, #tpu.memory_space<vmem>>) dst(%dma_wait3A_1310 : memref<256x128xf32, #tpu.memory_space<vmem_shared>>)
      %add3A_1311 = arith.constant 3 : i32
      %add3A_1312 = arith.addi %add3A_1289, %add3A_1311 : i32
      %lt3A_1313 = arith.constant 78 : i32
      %lt3A_1314 = arith.cmpi slt, %add3A_1312, %lt3A_1313 : i32
      %convert_element_type3A_1315 = arith.extui %lt3A_1314 : i1 to i32
      %cond3A_1316 = arith.constant 0 : i32
      %cond3A_1317 = arith.cmpi ne, %convert_element_type3A_1315, %cond3A_1316 : i32
      scf.if %cond3A_1317 {
        %add3A_1318 = arith.constant 3 : i32
        %add3A_1319 = arith.addi %add3A_1289, %add3A_1318 : i32
        %mul3A_1320 = arith.constant 128 : i32
        %mul3A_1321 = arith.muli %add3A_1319, %mul3A_1320 : i32
        %add3A_1322 = arith.addi %mul3A_2, %mul3A_1321 : i32
        %dma_start3A_1323 = arith.constant 0 : i32
        %dma_start3A_1324 = tpu.memref_slice %arg2[%add3A_1322, %dma_start3A_1323] : memref<320000x128xf32, #tpu.memory_space<hbm>> -> memref<128x128xf32, #tpu.memory_space<hbm>>
        %dma_start3A_1325 = arith.constant 0 : i32
        %dma_start3A_1326 = tpu.memref_slice %arg2[%add3A_1322, %dma_start3A_1325] : memref<320000x128xf32, #tpu.memory_space<hbm>> -> memref<128x128xf32, #tpu.memory_space<hbm>>
        tpu.enqueue_dma source(%dma_start3A_1326 : memref<128x128xf32, #tpu.memory_space<hbm>>) target(%arg7 : memref<128x128xf32, #tpu.memory_space<vmem>>) target_semaphore(%arg15 : memref<!tpu.dma_semaphore, #tpu.memory_space<semaphore_mem>>)
      } else {
      }
    }
    %scan3A_1144 = arith.constant 18 : i32
    %add3A_1145 = arith.constant 9728 : i32
    %add3A_1146 = arith.addi %mul3A_2, %add3A_1145 : i32
    %dma_wait3A_1147 = arith.constant 0 : i32
    %dma_wait3A_1148 = tpu.memref_slice %arg2[%add3A_1146, %dma_wait3A_1147] : memref<320000x128xf32, #tpu.memory_space<hbm>> -> memref<128x128xf32, #tpu.memory_space<hbm>>
    %dma_wait3A_1149 = arith.constant 0 : i32
    %dma_wait3A_1150 = tpu.memref_slice %arg2[%add3A_1146, %dma_wait3A_1149] : memref<320000x128xf32, #tpu.memory_space<hbm>> -> memref<128x128xf32, #tpu.memory_space<hbm>>
    tpu.wait_dma2 semaphore(%arg13 : memref<!tpu.dma_semaphore, #tpu.memory_space<semaphore_mem>>) src(%dma_wait3A_1150 : memref<128x128xf32, #tpu.memory_space<hbm>>) dst(%arg5 : memref<128x128xf32, #tpu.memory_space<vmem>>)
    %dma_start3A_1151 = arith.constant 76 : i32
    %dma_start3A_1152 = arith.constant 0 : i32
    %dma_start3A_1153 = tpu.memref_slice %arg9[%dma_start3A_1151, %dma_start3A_1152] : memref<79x128xi32, #tpu.memory_space<vmem>> -> memref<1x128xi32, #tpu.memory_space<vmem>>
    %dma_start3A_1154 = tpu.memref_squeeze %dma_start3A_1153 : memref<1x128xi32, #tpu.memory_space<vmem>> -> memref<128xi32, #tpu.memory_space<vmem>>
    %dma_start3A_1155 = arith.constant 0 : i32
    %dma_start3A_1156 = arith.constant 0 : i32
    %dma_start3A_1157 = tpu.memref_slice %arg11[%dma_start3A_1155, %dma_start3A_1156] : memref<256x128xf32, #tpu.memory_space<vmem_shared>> -> memref<256x128xf32, #tpu.memory_space<vmem_shared>>
    tpu.enqueue_indirect_dma source(%arg5 : memref<128x128xf32, #tpu.memory_space<vmem>>) target(%dma_start3A_1157 : memref<256x128xf32, #tpu.memory_space<vmem_shared>>) offsets(%dma_start3A_1154 : memref<128xi32, #tpu.memory_space<vmem>>) semaphore(%arg17 : memref<!tpu.dma_semaphore, #tpu.memory_space<semaphore_mem>>) {add = true}
    %dma_wait3A_1158 = arith.constant 75 : i32
    %dma_wait3A_1159 = arith.constant 0 : i32
    %dma_wait3A_1160 = tpu.memref_slice %arg9[%dma_wait3A_1158, %dma_wait3A_1159] : memref<79x128xi32, #tpu.memory_space<vmem>> -> memref<1x128xi32, #tpu.memory_space<vmem>>
    %dma_wait3A_1161 = tpu.memref_squeeze %dma_wait3A_1160 : memref<1x128xi32, #tpu.memory_space<vmem>> -> memref<128xi32, #tpu.memory_space<vmem>>
    %dma_wait3A_1162 = arith.constant 0 : i32
    %dma_wait3A_1163 = arith.constant 0 : i32
    %dma_wait3A_1164 = tpu.memref_slice %arg12[%dma_wait3A_1162, %dma_wait3A_1163] : memref<256x128xf32, #tpu.memory_space<vmem_shared>> -> memref<256x128xf32, #tpu.memory_space<vmem_shared>>
    tpu.wait_indirect_dma semaphore(%arg20 : memref<!tpu.dma_semaphore, #tpu.memory_space<semaphore_mem>>) src(%arg8 : memref<128x128xf32, #tpu.memory_space<vmem>>) dst(%dma_wait3A_1164 : memref<256x128xf32, #tpu.memory_space<vmem_shared>>)
    %add3A_1165 = arith.constant 9856 : i32
    %add3A_1166 = arith.addi %mul3A_2, %add3A_1165 : i32
    %dma_wait3A_1167 = arith.constant 0 : i32
    %dma_wait3A_1168 = tpu.memref_slice %arg2[%add3A_1166, %dma_wait3A_1167] : memref<320000x128xf32, #tpu.memory_space<hbm>> -> memref<128x128xf32, #tpu.memory_space<hbm>>
    %dma_wait3A_1169 = arith.constant 0 : i32
    %dma_wait3A_1170 = tpu.memref_slice %arg2[%add3A_1166, %dma_wait3A_1169] : memref<320000x128xf32, #tpu.memory_space<hbm>> -> memref<128x128xf32, #tpu.memory_space<hbm>>
    tpu.wait_dma2 semaphore(%arg14 : memref<!tpu.dma_semaphore, #tpu.memory_space<semaphore_mem>>) src(%dma_wait3A_1170 : memref<128x128xf32, #tpu.memory_space<hbm>>) dst(%arg6 : memref<128x128xf32, #tpu.memory_space<vmem>>)
    %dma_start3A_1171 = arith.constant 77 : i32
    %dma_start3A_1172 = arith.constant 0 : i32
    %dma_start3A_1173 = tpu.memref_slice %arg9[%dma_start3A_1171, %dma_start3A_1172] : memref<79x128xi32, #tpu.memory_space<vmem>> -> memref<1x128xi32, #tpu.memory_space<vmem>>
    %dma_start3A_1174 = tpu.memref_squeeze %dma_start3A_1173 : memref<1x128xi32, #tpu.memory_space<vmem>> -> memref<128xi32, #tpu.memory_space<vmem>>
    %dma_start3A_1175 = arith.constant 0 : i32
    %dma_start3A_1176 = arith.constant 0 : i32
    %dma_start3A_1177 = tpu.memref_slice %arg12[%dma_start3A_1175, %dma_start3A_1176] : memref<256x128xf32, #tpu.memory_space<vmem_shared>> -> memref<256x128xf32, #tpu.memory_space<vmem_shared>>
    tpu.enqueue_indirect_dma source(%arg6 : memref<128x128xf32, #tpu.memory_space<vmem>>) target(%dma_start3A_1177 : memref<256x128xf32, #tpu.memory_space<vmem_shared>>) offsets(%dma_start3A_1174 : memref<128xi32, #tpu.memory_space<vmem>>) semaphore(%arg18 : memref<!tpu.dma_semaphore, #tpu.memory_space<semaphore_mem>>) {add = true}
    %dma_wait3A_1178 = arith.constant 76 : i32
    %dma_wait3A_1179 = arith.constant 0 : i32
    %dma_wait3A_1180 = tpu.memref_slice %arg9[%dma_wait3A_1178, %dma_wait3A_1179] : memref<79x128xi32, #tpu.memory_space<vmem>> -> memref<1x128xi32, #tpu.memory_space<vmem>>
    %dma_wait3A_1181 = tpu.memref_squeeze %dma_wait3A_1180 : memref<1x128xi32, #tpu.memory_space<vmem>> -> memref<128xi32, #tpu.memory_space<vmem>>
    %dma_wait3A_1182 = arith.constant 0 : i32
    %dma_wait3A_1183 = arith.constant 0 : i32
    %dma_wait3A_1184 = tpu.memref_slice %arg11[%dma_wait3A_1182, %dma_wait3A_1183] : memref<256x128xf32, #tpu.memory_space<vmem_shared>> -> memref<256x128xf32, #tpu.memory_space<vmem_shared>>
    tpu.wait_indirect_dma semaphore(%arg17 : memref<!tpu.dma_semaphore, #tpu.memory_space<semaphore_mem>>) src(%arg5 : memref<128x128xf32, #tpu.memory_space<vmem>>) dst(%dma_wait3A_1184 : memref<256x128xf32, #tpu.memory_space<vmem_shared>>)
    %dma_wait3A_1185 = arith.constant 77 : i32
    %dma_wait3A_1186 = arith.constant 0 : i32
    %dma_wait3A_1187 = tpu.memref_slice %arg9[%dma_wait3A_1185, %dma_wait3A_1186] : memref<79x128xi32, #tpu.memory_space<vmem>> -> memref<1x128xi32, #tpu.memory_space<vmem>>
    %dma_wait3A_1188 = tpu.memref_squeeze %dma_wait3A_1187 : memref<1x128xi32, #tpu.memory_space<vmem>> -> memref<128xi32, #tpu.memory_space<vmem>>
    %dma_wait3A_1189 = arith.constant 0 : i32
    %dma_wait3A_1190 = arith.constant 0 : i32
    %dma_wait3A_1191 = tpu.memref_slice %arg12[%dma_wait3A_1189, %dma_wait3A_1190] : memref<256x128xf32, #tpu.memory_space<vmem_shared>> -> memref<256x128xf32, #tpu.memory_space<vmem_shared>>
    tpu.wait_indirect_dma semaphore(%arg18 : memref<!tpu.dma_semaphore, #tpu.memory_space<semaphore_mem>>) src(%arg6 : memref<128x128xf32, #tpu.memory_space<vmem>>) dst(%dma_wait3A_1191 : memref<256x128xf32, #tpu.memory_space<vmem_shared>>)
    %lt3A = arith.constant 4 : i32
    %lt3A_1192 = arith.cmpi slt, %add3A, %lt3A : i32
    %convert_element_type3A = arith.extui %lt3A_1192 : i1 to i32
    %cond3A = arith.constant 0 : i32
    %cond3A_1193 = arith.cmpi ne, %convert_element_type3A, %cond3A : i32
    scf.if %cond3A_1193 {
      %mul3A_1196 = arith.constant 128 : i32
      %mul3A_1197 = arith.muli %add3A, %mul3A_1196 : i32
      %add3A_1198 = arith.constant 319488 : i32
      %add3A_1199 = arith.addi %add3A_1198, %mul3A_1197 : i32
      "tpu.region"() ({
        %run_scoped3A_1201 = tpu.sem_alloc : memref<!tpu.dma_semaphore, #tpu.memory_space<semaphore_mem>>
        %dma_start3A_1202 = arith.constant 0 : i32
        %dma_start3A_1203 = tpu.memref_slice %arg2[%add3A_1199, %dma_start3A_1202] : memref<320000x128xf32, #tpu.memory_space<hbm>> -> memref<128x128xf32, #tpu.memory_space<hbm>>
        %dma_start3A_1204 = arith.constant 0 : i32
        %dma_start3A_1205 = tpu.memref_slice %arg2[%add3A_1199, %dma_start3A_1204] : memref<320000x128xf32, #tpu.memory_space<hbm>> -> memref<128x128xf32, #tpu.memory_space<hbm>>
        tpu.enqueue_dma source(%dma_start3A_1205 : memref<128x128xf32, #tpu.memory_space<hbm>>) target(%arg5 : memref<128x128xf32, #tpu.memory_space<vmem>>) target_semaphore(%run_scoped3A_1201 : memref<!tpu.dma_semaphore, #tpu.memory_space<semaphore_mem>>)
        %dma_wait3A_1206 = arith.constant 0 : i32
        %dma_wait3A_1207 = tpu.memref_slice %arg2[%add3A_1199, %dma_wait3A_1206] : memref<320000x128xf32, #tpu.memory_space<hbm>> -> memref<128x128xf32, #tpu.memory_space<hbm>>
        %dma_wait3A_1208 = arith.constant 0 : i32
        %dma_wait3A_1209 = tpu.memref_slice %arg2[%add3A_1199, %dma_wait3A_1208] : memref<320000x128xf32, #tpu.memory_space<hbm>> -> memref<128x128xf32, #tpu.memory_space<hbm>>
        tpu.wait_dma2 semaphore(%run_scoped3A_1201 : memref<!tpu.dma_semaphore, #tpu.memory_space<semaphore_mem>>) src(%dma_wait3A_1209 : memref<128x128xf32, #tpu.memory_space<hbm>>) dst(%arg5 : memref<128x128xf32, #tpu.memory_space<vmem>>)
        tpu.yield
      }) : () -> ()
      %run_scoped3A_1200 = arith.constant 78 : i32
      "tpu.region"() ({
        %run_scoped3A_1201 = tpu.sem_alloc : memref<!tpu.dma_semaphore, #tpu.memory_space<semaphore_mem>>
        %dma_start3A_1202 = arith.constant 0 : i32
        %dma_start3A_1203 = tpu.memref_slice %arg9[%run_scoped3A_1200, %dma_start3A_1202] : memref<79x128xi32, #tpu.memory_space<vmem>> -> memref<1x128xi32, #tpu.memory_space<vmem>>
        %dma_start3A_1204 = tpu.memref_squeeze %dma_start3A_1203 : memref<1x128xi32, #tpu.memory_space<vmem>> -> memref<128xi32, #tpu.memory_space<vmem>>
        %dma_start3A_1205 = arith.constant 0 : i32
        %dma_start3A_1206 = arith.constant 0 : i32
        %dma_start3A_1207 = tpu.memref_slice %arg11[%dma_start3A_1205, %dma_start3A_1206] : memref<256x128xf32, #tpu.memory_space<vmem_shared>> -> memref<256x128xf32, #tpu.memory_space<vmem_shared>>
        tpu.enqueue_indirect_dma source(%arg5 : memref<128x128xf32, #tpu.memory_space<vmem>>) target(%dma_start3A_1207 : memref<256x128xf32, #tpu.memory_space<vmem_shared>>) offsets(%dma_start3A_1204 : memref<128xi32, #tpu.memory_space<vmem>>) semaphore(%run_scoped3A_1201 : memref<!tpu.dma_semaphore, #tpu.memory_space<semaphore_mem>>) {add = true}
        %dma_wait3A_1208 = arith.constant 0 : i32
        %dma_wait3A_1209 = tpu.memref_slice %arg9[%run_scoped3A_1200, %dma_wait3A_1208] : memref<79x128xi32, #tpu.memory_space<vmem>> -> memref<1x128xi32, #tpu.memory_space<vmem>>
        %dma_wait3A_1210 = tpu.memref_squeeze %dma_wait3A_1209 : memref<1x128xi32, #tpu.memory_space<vmem>> -> memref<128xi32, #tpu.memory_space<vmem>>
        %dma_wait3A_1211 = arith.constant 0 : i32
        %dma_wait3A_1212 = arith.constant 0 : i32
        %dma_wait3A_1213 = tpu.memref_slice %arg11[%dma_wait3A_1211, %dma_wait3A_1212] : memref<256x128xf32, #tpu.memory_space<vmem_shared>> -> memref<256x128xf32, #tpu.memory_space<vmem_shared>>
        tpu.wait_indirect_dma semaphore(%run_scoped3A_1201 : memref<!tpu.dma_semaphore, #tpu.memory_space<semaphore_mem>>) src(%arg5 : memref<128x128xf32, #tpu.memory_space<vmem>>) dst(%dma_wait3A_1213 : memref<256x128xf32, #tpu.memory_space<vmem_shared>>)
        tpu.yield
      }) : () -> ()
    } else {
    }
    %barrier3A_1194 = arith.constant 0 : index
    tpu.barrier barrier_id(%barrier3A_1194)
    "tpu.region"() ({
      %run_scoped3A_1196 = tpu.sem_alloc : memref<!tpu.dma_semaphore, #tpu.memory_space<semaphore_mem>>
      %dma_start3A_1197 = arith.constant 0 : i32
      %dma_start3A_1198 = tpu.memref_slice %arg11[%mul3A_1026, %dma_start3A_1197] : memref<256x128xf32, #tpu.memory_space<vmem_shared>> -> memref<16x128xf32, #tpu.memory_space<vmem_shared>>
      %dma_start3A_1199 = arith.constant 0 : i32
      %dma_start3A_1200 = tpu.memref_slice %arg11[%mul3A_1026, %dma_start3A_1199] : memref<256x128xf32, #tpu.memory_space<vmem_shared>> -> memref<16x128xf32, #tpu.memory_space<vmem_shared>>
      tpu.enqueue_dma source(%dma_start3A_1200 : memref<16x128xf32, #tpu.memory_space<vmem_shared>>) target(%arg10 : memref<16x128xf32, #tpu.memory_space<vmem>>) target_semaphore(%run_scoped3A_1196 : memref<!tpu.dma_semaphore, #tpu.memory_space<semaphore_mem>>)
      %dma_wait3A_1201 = arith.constant 0 : i32
      %dma_wait3A_1202 = tpu.memref_slice %arg11[%mul3A_1026, %dma_wait3A_1201] : memref<256x128xf32, #tpu.memory_space<vmem_shared>> -> memref<16x128xf32, #tpu.memory_space<vmem_shared>>
      %dma_wait3A_1203 = arith.constant 0 : i32
      %dma_wait3A_1204 = tpu.memref_slice %arg11[%mul3A_1026, %dma_wait3A_1203] : memref<256x128xf32, #tpu.memory_space<vmem_shared>> -> memref<16x128xf32, #tpu.memory_space<vmem_shared>>
      tpu.wait_dma2 semaphore(%run_scoped3A_1196 : memref<!tpu.dma_semaphore, #tpu.memory_space<semaphore_mem>>) src(%dma_wait3A_1204 : memref<16x128xf32, #tpu.memory_space<vmem_shared>>) dst(%arg10 : memref<16x128xf32, #tpu.memory_space<vmem>>)
      tpu.yield
    }) : () -> ()
    %run_scoped3A = arith.constant 0 : i32
    "tpu.region"() ({
      %run_scoped3A_1196 = tpu.sem_alloc : memref<!tpu.dma_semaphore, #tpu.memory_space<semaphore_mem>>
      %dma_start3A_1197 = arith.constant 0 : i32
      %dma_start3A_1198 = tpu.memref_slice %arg4[%arg0, %run_scoped3A, %mul3A_1026, %dma_start3A_1197] : memref<2x2x256x128xf32, #tpu.memory_space<hbm>> -> memref<1x1x16x128xf32, #tpu.memory_space<hbm>>
      %dma_start3A_1199 = tpu.memref_squeeze %dma_start3A_1198 : memref<1x1x16x128xf32, #tpu.memory_space<hbm>> -> memref<16x128xf32, #tpu.memory_space<hbm>>
      %dma_start3A_1200 = arith.constant 0 : i32
      %dma_start3A_1201 = tpu.memref_slice %arg4[%arg0, %run_scoped3A, %mul3A_1026, %dma_start3A_1200] : memref<2x2x256x128xf32, #tpu.memory_space<hbm>> -> memref<1x1x16x128xf32, #tpu.memory_space<hbm>>
      %dma_start3A_1202 = tpu.memref_squeeze %dma_start3A_1201 : memref<1x1x16x128xf32, #tpu.memory_space<hbm>> -> memref<16x128xf32, #tpu.memory_space<hbm>>
      tpu.enqueue_dma source(%arg10 : memref<16x128xf32, #tpu.memory_space<vmem>>) target(%dma_start3A_1202 : memref<16x128xf32, #tpu.memory_space<hbm>>) target_semaphore(%run_scoped3A_1196 : memref<!tpu.dma_semaphore, #tpu.memory_space<semaphore_mem>>)
      %dma_wait3A_1203 = arith.constant 0 : i32
      %dma_wait3A_1204 = tpu.memref_slice %arg4[%arg0, %run_scoped3A, %mul3A_1026, %dma_wait3A_1203] : memref<2x2x256x128xf32, #tpu.memory_space<hbm>> -> memref<1x1x16x128xf32, #tpu.memory_space<hbm>>
      %dma_wait3A_1205 = tpu.memref_squeeze %dma_wait3A_1204 : memref<1x1x16x128xf32, #tpu.memory_space<hbm>> -> memref<16x128xf32, #tpu.memory_space<hbm>>
      %dma_wait3A_1206 = arith.constant 0 : i32
      %dma_wait3A_1207 = tpu.memref_slice %arg4[%arg0, %run_scoped3A, %mul3A_1026, %dma_wait3A_1206] : memref<2x2x256x128xf32, #tpu.memory_space<hbm>> -> memref<1x1x16x128xf32, #tpu.memory_space<hbm>>
      %dma_wait3A_1208 = tpu.memref_squeeze %dma_wait3A_1207 : memref<1x1x16x128xf32, #tpu.memory_space<hbm>> -> memref<16x128xf32, #tpu.memory_space<hbm>>
      tpu.wait_dma2 semaphore(%run_scoped3A_1196 : memref<!tpu.dma_semaphore, #tpu.memory_space<semaphore_mem>>) src(%arg10 : memref<16x128xf32, #tpu.memory_space<vmem>>) dst(%dma_wait3A_1208 : memref<16x128xf32, #tpu.memory_space<hbm>>)
      tpu.yield
    }) : () -> ()
    "tpu.region"() ({
      %run_scoped3A_1196 = tpu.sem_alloc : memref<!tpu.dma_semaphore, #tpu.memory_space<semaphore_mem>>
      %dma_start3A_1197 = arith.constant 0 : i32
      %dma_start3A_1198 = tpu.memref_slice %arg12[%mul3A_1026, %dma_start3A_1197] : memref<256x128xf32, #tpu.memory_space<vmem_shared>> -> memref<16x128xf32, #tpu.memory_space<vmem_shared>>
      %dma_start3A_1199 = arith.constant 0 : i32
      %dma_start3A_1200 = tpu.memref_slice %arg12[%mul3A_1026, %dma_start3A_1199] : memref<256x128xf32, #tpu.memory_space<vmem_shared>> -> memref<16x128xf32, #tpu.memory_space<vmem_shared>>
      tpu.enqueue_dma source(%dma_start3A_1200 : memref<16x128xf32, #tpu.memory_space<vmem_shared>>) target(%arg10 : memref<16x128xf32, #tpu.memory_space<vmem>>) target_semaphore(%run_scoped3A_1196 : memref<!tpu.dma_semaphore, #tpu.memory_space<semaphore_mem>>)
      %dma_wait3A_1201 = arith.constant 0 : i32
      %dma_wait3A_1202 = tpu.memref_slice %arg12[%mul3A_1026, %dma_wait3A_1201] : memref<256x128xf32, #tpu.memory_space<vmem_shared>> -> memref<16x128xf32, #tpu.memory_space<vmem_shared>>
      %dma_wait3A_1203 = arith.constant 0 : i32
      %dma_wait3A_1204 = tpu.memref_slice %arg12[%mul3A_1026, %dma_wait3A_1203] : memref<256x128xf32, #tpu.memory_space<vmem_shared>> -> memref<16x128xf32, #tpu.memory_space<vmem_shared>>
      tpu.wait_dma2 semaphore(%run_scoped3A_1196 : memref<!tpu.dma_semaphore, #tpu.memory_space<semaphore_mem>>) src(%dma_wait3A_1204 : memref<16x128xf32, #tpu.memory_space<vmem_shared>>) dst(%arg10 : memref<16x128xf32, #tpu.memory_space<vmem>>)
      tpu.yield
    }) : () -> ()
    %run_scoped3A_1195 = arith.constant 1 : i32
    "tpu.region"() ({
      %run_scoped3A_1196 = tpu.sem_alloc : memref<!tpu.dma_semaphore, #tpu.memory_space<semaphore_mem>>
      %dma_start3A_1197 = arith.constant 0 : i32
      %dma_start3A_1198 = tpu.memref_slice %arg4[%arg0, %run_scoped3A_1195, %mul3A_1026, %dma_start3A_1197] : memref<2x2x256x128xf32, #tpu.memory_space<hbm>> -> memref<1x1x16x128xf32, #tpu.memory_space<hbm>>
      %dma_start3A_1199 = tpu.memref_squeeze %dma_start3A_1198 : memref<1x1x16x128xf32, #tpu.memory_space<hbm>> -> memref<16x128xf32, #tpu.memory_space<hbm>>
      %dma_start3A_1200 = arith.constant 0 : i32
      %dma_start3A_1201 = tpu.memref_slice %arg4[%arg0, %run_scoped3A_1195, %mul3A_1026, %dma_start3A_1200] : memref<2x2x256x128xf32, #tpu.memory_space<hbm>> -> memref<1x1x16x128xf32, #tpu.memory_space<hbm>>
      %dma_start3A_1202 = tpu.memref_squeeze %dma_start3A_1201 : memref<1x1x16x128xf32, #tpu.memory_space<hbm>> -> memref<16x128xf32, #tpu.memory_space<hbm>>
      tpu.enqueue_dma source(%arg10 : memref<16x128xf32, #tpu.memory_space<vmem>>) target(%dma_start3A_1202 : memref<16x128xf32, #tpu.memory_space<hbm>>) target_semaphore(%run_scoped3A_1196 : memref<!tpu.dma_semaphore, #tpu.memory_space<semaphore_mem>>)
      %dma_wait3A_1203 = arith.constant 0 : i32
      %dma_wait3A_1204 = tpu.memref_slice %arg4[%arg0, %run_scoped3A_1195, %mul3A_1026, %dma_wait3A_1203] : memref<2x2x256x128xf32, #tpu.memory_space<hbm>> -> memref<1x1x16x128xf32, #tpu.memory_space<hbm>>
      %dma_wait3A_1205 = tpu.memref_squeeze %dma_wait3A_1204 : memref<1x1x16x128xf32, #tpu.memory_space<hbm>> -> memref<16x128xf32, #tpu.memory_space<hbm>>
      %dma_wait3A_1206 = arith.constant 0 : i32
      %dma_wait3A_1207 = tpu.memref_slice %arg4[%arg0, %run_scoped3A_1195, %mul3A_1026, %dma_wait3A_1206] : memref<2x2x256x128xf32, #tpu.memory_space<hbm>> -> memref<1x1x16x128xf32, #tpu.memory_space<hbm>>
      %dma_wait3A_1208 = tpu.memref_squeeze %dma_wait3A_1207 : memref<1x1x16x128xf32, #tpu.memory_space<hbm>> -> memref<16x128xf32, #tpu.memory_space<hbm>>
      tpu.wait_dma2 semaphore(%run_scoped3A_1196 : memref<!tpu.dma_semaphore, #tpu.memory_space<semaphore_mem>>) src(%arg10 : memref<16x128xf32, #tpu.memory_space<vmem>>) dst(%dma_wait3A_1208 : memref<16x128xf32, #tpu.memory_space<hbm>>)
      tpu.yield
    }) : () -> ()
    return
  }
}

</mosaic_0001>

<sc_bundles>
// kernel: _sc_partials.3.cloned.1.call-start
scs
__scs_entry_jumppad:
0x0: {  	(pc) =	sbr.rel $0x88, $3  }
0x1: {  	(tag) =	ssettag $0x0;
	lr =	simm.s32 $0x1  }
0x2: {  	[smem:$0x3F9F] =	sst lr;
	_ =	strace $0xD0000000  }
0x3: {  	_ = 	snop  }
0x4: {  	_ = 	snop  }
0x5: {  	_ = 	snop  }
0x6: {  	_ = 	snop  }
0x7: {  	_ = 	snop  }
__scs_overlays_trampoline_lowered:
0x8: {  	[smem:$0x3FAE] =	sst s0  }
0x9: {  	[smem:$0x3FAF] =	sst s1  }
0xa: {  	[smem:$0x3FB0] =	sst s2  }
0xb: {  	[smem:$0x3FB1] =	sst s3  }
0xc: {  	[smem:$0x3FB2] =	sst s4  }
0xd: {  	[smem:$0x3FB3] =	sst s5  }
0xe: {  	[smem:$0x3FB4] =	sst s6  }
0xf: {  	[smem:$0x3FB5] =	sst s7  }
0x10: {  	[smem:$0x3FB6] =	sst s8  }
0x11: {  	[smem:$0x3FB7] =	sst s9;
	s0 =	simm.s32 @!p0 $0x0  }
0x12: {  	s1 =	sld [smem:$0x3F9D];
	s0 =	simm.s32 @p0 $0x1  }
0x13: {  	[smem:$0x3FB8] =	sst s0;
	s0 =	simm.s32 @!p1 $0x0  }
0x14: {  	s2 =	sld [smem:$0x3F9C];
	s0 =	simm.s32 @p1 $0x1  }
0x15: {  	[smem:$0x3FB9] =	sst s0;
	s0 =	simm.s32 @!p2 $0x0  }
0x16: {  	s3 =	sld [smem:$0x3FDB];
	s0 =	simm.s32 @p2 $0x1  }
0x17: {  	s4 =	simm.s32 $0x1BF5;
	[smem:$0x3FBB] =	sst s0  }
0x18: {  	s0 =	sld [smem:$0x3F9E];
	_ =	swait.ge [sflag:s4], $0x0  }
0x19: {  	s7 =	sld [smem:$0x3F9F]  }
0x1a: {  	s8 =	sadd.s32 $0xFFFFE003, lr  }
0x1b: {  	s9 =	sadd.s32 $0xFFFFFEF7, lr;
	s5 =	simm.s32 $0xFFFFFFFF;
	p2 =	slt.u32 s8, $0xFFFFF086  }
0x1c: {  	p1 =	slt.u32 s9, $0xF7A;
	s5 =	simm.s32 @!p2 $0x0  }
0x1d: {  	s5 =	simm.s32 @p1 $0x1;
	p0 =	seq.s32 s7, s2  }
0x1e: {  	s7 =	smul.u32 @!p0 $0xF7A, s2;
	p2 =	seq.s32 @!p0 s5, $0x0  }
0x1f: {  	s9 =	smul.u32 $0xF7A, s1;
	s8 =	simm.s32 @!p0 $0x1BF5;
	p2 =	por !p2, p0  }
0x20: {  	[sflag:s8] =	ssyncset.s32 @!p0 $0xFFFFF086;
	s6 =	sadd.s32 @!p0 s3, s7;
	s7 =	simm.s32 @!p0 $0x108  }
0x21: {  	s3 =	sadd.s32 s3, s9;
	s6 =	sadd.s32 @!p0 $0x88, s6;
	s7 =	simm.s32 @p2 $0x1082  }
0x22: {  	[simem:s7], [sflag:s8] =	dma.local @!p0 [hbm:s6], $0xF7A  }
0x23: {  	s9 =	sor.u32 $0xD0000000, s2;
	s6 =	simm.s32 $0x108;
	_ =	swait.ge @!p0 [sflag:s8], $0x0  }
0x24: {  	s3 =	sadd.s32 $0x88, s3;
	s6 =	simm.s32 @!p1 $0x1082;
	[sflag:s4] =	ssyncset.s32 $0xFFFFF086  }
0x25: {  	[simem:s6], [sflag:s4] =	dma.local [hbm:s3], $0xF7A  }
0x26: {  	[smem:$0x3F9F] =	sst s1;
	(tag) =	ssettag s2;
	_ =	strace s9  }
0x27: {  	s1 =	sld [smem:$0x3FAF]  }
0x28: {  	s2 =	sld [smem:$0x3FB0]  }
0x29: {  	s4 =	sld [smem:$0x3FB2]  }
0x2a: {  	p0 =	seq.s32 s5, $0x0;
	s5 =	sld [smem:$0x3FB3]  }
0x2b: {  	s6 =	sld [smem:$0x3FB4]  }
0x2c: {  	s7 =	sld [smem:$0x3FB5]  }
0x2d: {  	s3 =	simm.s32 $0x108;
	s8 =	sld [smem:$0x3FB6]  }
0x2e: {  	s3 =	simm.s32 @!p0 $0x1082;
	s9 =	sld [smem:$0x3FB7]  }
0x2f: {  	lr =	sadd.s32 s0, s3;
	s0 =	sld [smem:$0x3FAE]  }
0x30: {  	s3 =	sld [smem:$0x3FB1]  }
0x31: {  	[smem:$0x3FBA] =	sst s10  }
0x32: {  	s10 =	sld [smem:$0x3FB8];
	_ =	sdelay $0x3  }
0x33: {  	p0 =	seq.s32 s10, $0x1;
	s10 =	sld [smem:$0x3FBA];
	_ =	sdelay $0x3  }
0x34: {  	[smem:$0x3FBA] =	sst s10  }
0x35: {  	s10 =	sld [smem:$0x3FB9];
	_ =	sdelay $0x3  }
0x36: {  	p1 =	seq.s32 s10, $0x1;
	s10 =	sld [smem:$0x3FBA];
	_ =	sdelay $0x3  }
0x37: {  	[smem:$0x3FBA] =	sst s10  }
0x38: {  	s10 =	sld [smem:$0x3FBB]  }
0x39: {  	_ = 	snop;
	(pc) =	sbr.ind lr, $3  }
0x3a: {  	_ = 	snop  }
0x3b: {  	_ = 	snop  }
0x3c: {  	p2 =	seq.s32 s10, $0x1;
	s10 =	sld [smem:$0x3FBA]  }
0x3d: {  	_ =	shalt  }
0x3e: {  	_ =	shalt  }
0x3f: {  	_ =	shalt  }
0x40: {  	_ =	shalt  }
0x41: {  	_ =	shalt  }
0x42: {  	_ =	shalt  }
0x43: {  	_ =	shalt  }
0x44: {  	_ =	shalt  }
0x45: {  	_ =	shalt  }
0x46: {  	_ =	shalt  }
0x47: {  	_ =	shalt  }
0x48: {  	_ =	shalt  }
0x49: {  	_ =	shalt  }
0x4a: {  	_ =	shalt  }
0x4b: {  	_ =	shalt  }
0x4c: {  	_ =	shalt  }
0x4d: {  	_ =	shalt  }
0x4e: {  	_ =	shalt  }
0x4f: {  	_ =	shalt  }
0x50: {  	_ =	shalt  }
0x51: {  	_ =	shalt  }
0x52: {  	_ =	shalt  }
0x53: {  	_ =	shalt  }
0x54: {  	_ =	shalt  }
0x55: {  	_ =	shalt  }
0x56: {  	_ =	shalt  }
0x57: {  	_ =	shalt  }
0x58: {  	_ =	shalt  }
0x59: {  	_ =	shalt  }
0x5a: {  	_ =	shalt  }
0x5b: {  	_ =	shalt  }
0x5c: {  	_ =	shalt  }
0x5d: {  	_ =	shalt  }
0x5e: {  	_ =	shalt  }
0x5f: {  	_ =	shalt  }
0x60: {  	_ =	shalt  }
0x61: {  	_ =	shalt  }
0x62: {  	_ =	shalt  }
0x63: {  	_ =	shalt  }
0x64: {  	_ =	shalt  }
0x65: {  	_ =	shalt  }
0x66: {  	_ =	shalt  }
0x67: {  	_ =	shalt  }
0x68: {  	_ =	shalt  }
0x69: {  	_ =	shalt  }
0x6a: {  	_ =	shalt  }
0x6b: {  	_ =	shalt  }
0x6c: {  	_ =	shalt  }
0x6d: {  	_ =	shalt  }
0x6e: {  	_ =	shalt  }
0x6f: {  	_ =	shalt  }
0x70: {  	_ =	shalt  }
0x71: {  	_ =	shalt  }
0x72: {  	_ =	shalt  }
0x73: {  	_ =	shalt  }
0x74: {  	_ =	shalt  }
0x75: {  	_ =	shalt  }
0x76: {  	_ =	shalt  }
0x77: {  	_ =	shalt  }
0x78: {  	_ =	shalt  }
0x79: {  	_ =	shalt  }
0x7a: {  	_ =	shalt  }
0x7b: {  	_ =	shalt  }
0x7c: {  	_ =	shalt  }
0x7d: {  	_ =	shalt  }
0x7e: {  	_ =	shalt  }
0x7f: {  	_ =	shalt  }
0x80: {  	_ =	shalt  }
0x81: {  	_ =	shalt  }
0x82: {  	_ =	shalt  }
0x83: {  	_ =	shalt  }
0x84: {  	_ =	shalt  }
0x85: {  	_ =	shalt  }
0x86: {  	_ =	shalt  }
0x87: {  	_ =	shalt  }
.Lfunc_end0:
.L_simem_size_0:
called_computation_lowered:
.L_overlay_start_0:
0x88: {  	s2 =	sld [smem:$0x3FD9]  }
0x89: {  	s3 =	sld [smem:$0x3FFE];
	_ =	sdelay $0x1  }
0x8a: {  	s1 =	srdreg.scid  }
0x8b: {  	s0 =	sand.u32 $0x1, s1  }
0x8c: {  	s17 =	sshll.u32 s0, $0xA;
	s2 =	sadd.s32 s3, s2  }
0x8d: {  	s2 =	sadd.s32 s2, s17  }
0x8e: {  	[smem:$0x3FC6] =	sst s2  }
0x8f: {  	_ = 	snop  }
0x90: {  	s2 =	sld [smem:$0x3FC9]  }
0x91: {  	s18 =	sld [smem:$0x3FD0];
	(tm) =	ssettm $0x1  }
0x92: {  	s4 =	sld [smem:$0x3FFB];
	_ =	sdelay $0x3  }
0x93: {  	_ =	strace s4  }
0x94: {  	s4 =	sld [smem:$0x3FFC];
	_ =	sdelay $0x3  }
0x95: {  	_ =	strace s4  }
0x96: {  	s4 =	sld [smem:$0x3FFD];
	_ =	sdelay $0x3  }
0x97: {  	_ =	strace s4  }
0x98: {  	_ =	strace $0x8FFFFFFF  }
0x99: {  	s19 =	sld [smem:$0x3FDB];
	_ =	sdelay $0x1  }
0x9a: {  	s5 =	simm.s32 $_scs_section_size  }
0x9b: {  	s6 =	simm.s32 $_size__tile_overlayer_lowered;
	s7 =	simm.s32 $_tile_overlayer_lowered  }
0x9c: {  	s22 =	simm.s32 $0x1BFF;
	s21 =	sshll.u32 s7, $0x1;
	s4 =	sadd.s32 s5, s19  }
0x9d: {  	s8 =	simm.s32 $0x0;
	s20 =	sshll.u32 s6, $0x1;
	s6 =	sadd.s32 s21, s4  }
0x9e: {  	[timem:s8], [sflag:s22] =	dma.local [hbm:s6], s20  }
0x9f: {  	_ =	swait.ge [sflag:s22], s20  }
0xa0: {  	s5 =	ssub.s32 $0x0, s20;
	[sflag:s22] =	ssyncset.done $0x0  }
0xa1: {  	[sflag:s22] =	ssyncadd.s32 s5;
	_ =	sdelay $0x1  }
0xa2: {  	s23 =	simm.s32 $0x1B8B  }
0xa3: {  	_ =	swait.ge [sflag:s23], $0x1  }
0xa4: {  	[sflag:s23] =	ssyncset.done $0x0  }
0xa5: {  	s25 =	simm.s32 $0x1B8E;
	s24 =	sld [smem:$0x3FFE];
	[sflag:s23] =	ssyncadd.s32 $0xFFFFFFFF  }
0xa6: {  	s26 =	simm.s32 $execute0_lowered;
	[smem:$0x3FD2] =	sst s25  }
0xa7: {  	s6 =	sshll.u32 s26, $0x1;
	_ =	strace $0x80000046;
	[dreg:$0x1] =	wrdreg $0xFFFFFFFF  }
0xa8: {  	s28 =	simm.s32 $_size_execute0_lowered;
	s4 =	sadd.s32 s4, s6;
	[dreg:$0x0] =	wrdreg $0x0  }
0xa9: {  	s6 =	sshll.u32 s28, $0x1;
	[dreg:$0x2] =	wrdreg s4  }
0xaa: {  	[dreg:$0x3] =	wrdreg s6  }
0xab: {  	[dreg:$0x4] =	wrdreg $0xC0  }
0xac: {  	_ =	task [dreg:s8], $0x5FFFF  }
0xad: {  	[dreg:$0x1] =	wrdreg $0xFFFFFFFF  }
0xae: {  	[dreg:$0x0] =	wrdreg $0x60  }
0xaf: {  	[dreg:$0x2] =	wrdreg s2  }
0xb0: {  	[dreg:$0x3] =	wrdreg s24  }
0xb1: {  	[dreg:$0x4] =	wrdreg s18  }
0xb2: {  	[dreg:$0x5] =	wrdreg $0x130000  }
0xb3: {  	[dreg:$0x6] =	wrdreg $0x138000  }
0xb4: {  	[dreg:$0x7] =	wrdreg $0x9  }
0xb5: {  	_ =	task.clear_ibuf [dreg:s8], $0x8FFFF;
	_ =	strace $0x90000046  }
0xb6: {  	s29 =	simm.s32 $0x9;
	_ =	strace $0x80000048  }
0xb7: {  	_ =	swait.ge [sflag:s29], $0x1  }
0xb8: {  	[sflag:s29] =	ssyncadd.s32 $0xFFFFFFFF  }
0xb9: {  	_ =	strace $0x90000048  }
0xba: {  	_ =	sfence  }
0xbb: {  	s30 =	sld [smem:$0x0];
	_ =	sdelay $0x2  }
0xbc: {  	s31 =	sshll.u32 s1, $0xD;
	s1 =	sshrl.u32 s1, $0x2  }
0xbd: {  	s3 =	sand.u32 $0x4000, s31;
	s1 =	sadd.s32 s1, s30  }
0xbe: {  	s0 =	sor.u32 s3, s0;
	s1 =	sshll.u32 s1, $0x11  }
0xbf: {  	s0 =	sor.u32 s1, s0  }
0xc0: {  	s0 =	sadd.s32 $0x8F2B, s0  }
0xc1: {  	[sflag:s0] =	ssyncadd.remote.s32 $0x1  }
0xc2: {  	_ =	sfence.sel $0xFFFF  }
0xc3: {  	[dreg:$0x0] =	wrdreg $0xFFFFFFFF;
	(pc) =	sbr.abs _section_cstart, $3  }
0xc4: {  	[dreg:$0x1] =	wrdreg $0xFFFFFFFF  }
0xc5: {  	_ =	task.clear_ibuf [dreg:s8], $0x2FFFF;
	_ =	strace $0x9FFFFFFF  }
0xc6: {  	(tm) =	ssettm $0x7FFFFFFF  }
0xc7: {  	_ =	shalt  }
tec
execute0_lowered:
.L_overlay_start_1:
0x0: {  	(tag) =	ssettag $0x1  }
0x1: {  	s0 =	rddreg [dreg:$0x0]  }
0x2: {  	s1 =	rddreg [dreg:$0x1]  }
0x3: {  	s7 =	rddreg [dreg:$0x2]  }
0x4: {  	s2 =	rddreg [dreg:$0x3];
	s4 =	srdreg.scid  }
0x5: {  	s14 =	stileid.u32;
	s3 =	rddreg [dreg:$0x4];
	s28 =	simm.s32 $0x9  }
0x6: {  	s30 =	simm.s32 $0x4000;
	s31 =	simm.s32 $0x8000;
	s8 =	sand.u32 $0x1, s4  }
0x7: {  	s5 =	sshll.u32 s14, $0x1;
	s4 =	simm.s32 $0x0;
	s11 =	sshll.u32 s14, $0xB  }
0x8: {  	s29 =	smul.u32 $0x270000, s14;
	p0 =	sgt.u32 s14, $0x1;
	s9 =	sor.u32 s8, s5  }
0x9: {  	s21 =	ssub.s32 $0x2, s8;
	s15 =	sshll.u32 s8, $0x10;
	s8 =	smul.u32 $0x138000, s8  }
0xa: {  	s14 =	simm.s32 $0x7;
	[smem:$0x7FF] =	sst s4;
	s5 =	smul.u32 $0x500, s9  }
0xb: {  	s16 =	sadd.s32 s11, s3;
	_ =	strace $0x80000047;
	s6 =	smul.u32 $0x138000, s9  }
0xc: {  	s10 =	sshrl.u32 s21, $0x1;
	s12 =	smul.u32 $0x27000, s9;
	s9 =	sshll.u32 s9, $0xB  }
0xd: {  	s10 =	ssub.s32 s21, s10;
	s9 =	sadd.s32 s9, s0;
	s1 =	sadd.s32 s5, s1  }
0xe: {  	s5 =	sadd.s32 s11, s2;
	s13 =	sshrl.u32 s6, $0x3;
	s22 =	sadd.s32 s0, s12  }
0xf: {  	s11 =	sor.u32 s11, s15;
	s18 =	sadd.s32 $0x4E0000, s9;
	[dreg:$0x6] =	wrdreg s22  }
0x10: {  	s21 =	smax.u32 s10, $0x1;
	s9 =	simm.s32 $0x2;
	[dreg:$0xe] =	wrdreg s18  }
0x11: {  	s10 =	simm.s32 $0x5;
	s1 =	sadd.s32 $0x400, s1;
	[dreg:$0x11] =	wrdreg s21  }
0x12: {  	s12 =	sadd.s32 s0, s13;
	s23 =	sadd.s32 $0x800, s22;
	[dreg:$0x7] =	wrdreg s1  }
0x13: {  	s15 =	simm.s32 $0x0;
	[dreg:$0x8] =	wrdreg s23;
	s24 =	sadd.s32 $0x1000, s12  }
0x14: {  	s11 =	sshrl.u32 s11, $0x3;
	s25 =	sadd.s32 $0x1800, s12;
	[dreg:$0x9] =	wrdreg s24  }
0x15: {  	s26 =	sadd.s32 $0x2000, s12;
	s13 =	sadd.s32 $0x2800, s12;
	[dreg:$0xa] =	wrdreg s25  }
0x16: {  	s17 =	sadd.s32 $0x3000, s12;
	s1 =	sadd.s32 s8, s29;
	[dreg:$0xb] =	wrdreg s26  }
0x17: {  	s19 =	sadd.s32 s7, s11;
	s22 =	sadd.s32 $0x25800, s12;
	[dreg:$0xc] =	wrdreg s13  }
0x18: {  	s29 =	sadd.s32 $0x26800, s12;
	s11 =	simm.s32 $0x3;
	[dreg:$0xd] =	wrdreg s17  }
0x19: {  	s20 =	sadd.s32 $0x1C000, s1;
	[dreg:$0xf] =	wrdreg s19;
	s6 =	sadd.s32 $0x1000, s19  }
0x1a: {  	[dreg:$0x12] =	wrdreg s22;
	s24 =	sadd.s32 $0x28000, s1;
	s8 =	sadd.s32 $0x24000, s1  }
0x1b: {  	s1 =	sadd.s32 $0x20000, s1;
	s26 =	sadd.s32 $0x26000, s12;
	[dreg:$0x15] =	wrdreg s29  }
0x1c: {  	s12 =	simm.s32 $0x6;
	s13 =	simm.s32 $0x4;
	[dreg:$0x10] =	wrdreg s6  }
0x1d: {  	s7 =	sshrl.u32 s20, $0x3;
	s25 =	sshrl.u32 s8, $0x3;
	s1 =	sshrl.u32 s1, $0x3  }
0x1e: {  	[dreg:$0x14] =	wrdreg s26;
	s26 =	simm.s32 $0x12800;
	s8 =	simm.s32 $0xC000  }
0x1f: {  	s23 =	sadd.s32 s7, s0;
	s7 =	sshrl.u32 s24, $0x3;
	s22 =	sadd.s32 s25, s0  }
0x20: {  	[dreg:$0x13] =	wrdreg s23;
	s24 =	sadd.s32 s7, s0;
	s23 =	sadd.s32 s1, s0  }
0x21: {  	v0 =	vimm.f32 $0.0e+00;
	s1 =	simm.s32 $0x1;
	s0 =	simm.s32 $0x80;
	s7 =	simm.s32 $0x8  }
.LBB2_1:
0x22: {  	[tilespmem:$0x12800] =	vst v0  }
0x23: {  	[tilespmem:$0x12810] =	vst v0  }
0x24: {  	[tilespmem:$0x12820] =	vst v0  }
0x25: {  	[tilespmem:$0x12830] =	vst v0  }
0x26: {  	[tilespmem:$0x12840] =	vst v0  }
0x27: {  	[tilespmem:$0x12850] =	vst v0  }
0x28: {  	[tilespmem:$0x12860] =	vst v0  }
0x29: {  	[tilespmem:$0x12870] =	vst v0  }
0x2a: {  	[tilespmem:$0x12880] =	vst v0  }
0x2b: {  	[tilespmem:$0x12890] =	vst v0  }
0x2c: {  	[tilespmem:$0x128A0] =	vst v0  }
0x2d: {  	[tilespmem:$0x128B0] =	vst v0  }
0x2e: {  	[tilespmem:$0x128C0] =	vst v0  }
0x2f: {  	[tilespmem:$0x128D0] =	vst v0  }
0x30: {  	[tilespmem:$0x128E0] =	vst v0  }
0x31: {  	[tilespmem:$0x128F0] =	vst v0  }
0x32: {  	[tilespmem:$0x12900] =	vst v0  }
0x33: {  	[tilespmem:$0x12910] =	vst v0  }
0x34: {  	[tilespmem:$0x12920] =	vst v0  }
0x35: {  	[tilespmem:$0x12930] =	vst v0  }
0x36: {  	[tilespmem:$0x12940] =	vst v0  }
0x37: {  	[tilespmem:$0x12950] =	vst v0  }
0x38: {  	[tilespmem:$0x12960] =	vst v0  }
0x39: {  	[tilespmem:$0x12970] =	vst v0  }
0x3a: {  	[tilespmem:$0x12980] =	vst v0  }
0x3b: {  	[tilespmem:$0x12990] =	vst v0  }
0x3c: {  	[tilespmem:$0x129A0] =	vst v0  }
0x3d: {  	[tilespmem:$0x129B0] =	vst v0  }
0x3e: {  	[tilespmem:$0x129C0] =	vst v0  }
0x3f: {  	[tilespmem:$0x129D0] =	vst v0  }
0x40: {  	[tilespmem:$0x129E0] =	vst v0  }
0x41: {  	[tilespmem:$0x129F0] =	vst v0  }
0x42: {  	[tilespmem:$0x12A00] =	vst v0  }
0x43: {  	[tilespmem:$0x12A10] =	vst v0  }
0x44: {  	[tilespmem:$0x12A20] =	vst v0  }
0x45: {  	[tilespmem:$0x12A30] =	vst v0  }
0x46: {  	[tilespmem:$0x12A40] =	vst v0  }
0x47: {  	[tilespmem:$0x12A50] =	vst v0  }
0x48: {  	[tilespmem:$0x12A60] =	vst v0  }
0x49: {  	[tilespmem:$0x12A70] =	vst v0  }
0x4a: {  	[tilespmem:$0x12A80] =	vst v0  }
0x4b: {  	[tilespmem:$0x12A90] =	vst v0  }
0x4c: {  	[tilespmem:$0x12AA0] =	vst v0  }
0x4d: {  	[tilespmem:$0x12AB0] =	vst v0  }
0x4e: {  	[tilespmem:$0x12AC0] =	vst v0  }
0x4f: {  	[tilespmem:$0x12AD0] =	vst v0  }
0x50: {  	[tilespmem:$0x12AE0] =	vst v0  }
0x51: {  	[tilespmem:$0x12AF0] =	vst v0  }
0x52: {  	[tilespmem:$0x12B00] =	vst v0  }
0x53: {  	[tilespmem:$0x12B10] =	vst v0  }
0x54: {  	[tilespmem:$0x12B20] =	vst v0  }
0x55: {  	[tilespmem:$0x12B30] =	vst v0  }
0x56: {  	[tilespmem:$0x12B40] =	vst v0  }
0x57: {  	[tilespmem:$0x12B50] =	vst v0  }
0x58: {  	[tilespmem:$0x12B60] =	vst v0  }
0x59: {  	[tilespmem:$0x12B70] =	vst v0  }
0x5a: {  	[tilespmem:$0x12B80] =	vst v0  }
0x5b: {  	[tilespmem:$0x12B90] =	vst v0  }
0x5c: {  	[tilespmem:$0x12BA0] =	vst v0  }
0x5d: {  	[tilespmem:$0x12BB0] =	vst v0  }
0x5e: {  	[tilespmem:$0x12BC0] =	vst v0  }
0x5f: {  	[tilespmem:$0x12BD0] =	vst v0  }
0x60: {  	[tilespmem:$0x12BE0] =	vst v0  }
0x61: {  	[tilespmem:$0x12BF0] =	vst v0  }
0x62: {  	[tilespmem:$0x12C00] =	vst v0  }
0x63: {  	[tilespmem:$0x12C10] =	vst v0  }
0x64: {  	[tilespmem:$0x12C20] =	vst v0  }
0x65: {  	[tilespmem:$0x12C30] =	vst v0  }
0x66: {  	[tilespmem:$0x12C40] =	vst v0  }
0x67: {  	[tilespmem:$0x12C50] =	vst v0  }
0x68: {  	[tilespmem:$0x12C60] =	vst v0  }
0x69: {  	[tilespmem:$0x12C70] =	vst v0  }
0x6a: {  	[tilespmem:$0x12C80] =	vst v0  }
0x6b: {  	[tilespmem:$0x12C90] =	vst v0  }
0x6c: {  	[tilespmem:$0x12CA0] =	vst v0  }
0x6d: {  	[tilespmem:$0x12CB0] =	vst v0  }
0x6e: {  	[tilespmem:$0x12CC0] =	vst v0  }
0x6f: {  	[tilespmem:$0x12CD0] =	vst v0  }
0x70: {  	[tilespmem:$0x12CE0] =	vst v0  }
0x71: {  	[tilespmem:$0x12CF0] =	vst v0  }
0x72: {  	[tilespmem:$0x12D00] =	vst v0  }
0x73: {  	[tilespmem:$0x12D10] =	vst v0  }
0x74: {  	[tilespmem:$0x12D20] =	vst v0  }
0x75: {  	[tilespmem:$0x12D30] =	vst v0  }
0x76: {  	[tilespmem:$0x12D40] =	vst v0  }
0x77: {  	[tilespmem:$0x12D50] =	vst v0  }
0x78: {  	[tilespmem:$0x12D60] =	vst v0  }
0x79: {  	[tilespmem:$0x12D70] =	vst v0  }
0x7a: {  	[tilespmem:$0x12D80] =	vst v0  }
0x7b: {  	[tilespmem:$0x12D90] =	vst v0  }
0x7c: {  	[tilespmem:$0x12DA0] =	vst v0  }
0x7d: {  	[tilespmem:$0x12DB0] =	vst v0  }
0x7e: {  	[tilespmem:$0x12DC0] =	vst v0  }
0x7f: {  	[tilespmem:$0x12DD0] =	vst v0  }
0x80: {  	[tilespmem:$0x12DE0] =	vst v0  }
0x81: {  	[tilespmem:$0x12DF0] =	vst v0  }
0x82: {  	[tilespmem:$0x12E00] =	vst v0  }
0x83: {  	[tilespmem:$0x12E10] =	vst v0  }
0x84: {  	[tilespmem:$0x12E20] =	vst v0  }
0x85: {  	[tilespmem:$0x12E30] =	vst v0  }
0x86: {  	[tilespmem:$0x12E40] =	vst v0  }
0x87: {  	[tilespmem:$0x12E50] =	vst v0  }
0x88: {  	[tilespmem:$0x12E60] =	vst v0  }
0x89: {  	[tilespmem:$0x12E70] =	vst v0  }
0x8a: {  	[tilespmem:$0x12E80] =	vst v0  }
0x8b: {  	[tilespmem:$0x12E90] =	vst v0  }
0x8c: {  	[tilespmem:$0x12EA0] =	vst v0  }
0x8d: {  	[tilespmem:$0x12EB0] =	vst v0  }
0x8e: {  	[tilespmem:$0x12EC0] =	vst v0  }
0x8f: {  	[tilespmem:$0x12ED0] =	vst v0  }
0x90: {  	[tilespmem:$0x12EE0] =	vst v0  }
0x91: {  	[tilespmem:$0x12EF0] =	vst v0  }
0x92: {  	[tilespmem:$0x12F00] =	vst v0  }
0x93: {  	[tilespmem:$0x12F10] =	vst v0  }
0x94: {  	[tilespmem:$0x12F20] =	vst v0  }
0x95: {  	[tilespmem:$0x12F30] =	vst v0  }
0x96: {  	[tilespmem:$0x12F40] =	vst v0  }
0x97: {  	[tilespmem:$0x12F50] =	vst v0  }
0x98: {  	[tilespmem:$0x12F60] =	vst v0  }
0x99: {  	[tilespmem:$0x12F70] =	vst v0  }
0x9a: {  	[tilespmem:$0x12F80] =	vst v0  }
0x9b: {  	[tilespmem:$0x12F90] =	vst v0  }
0x9c: {  	[tilespmem:$0x12FA0] =	vst v0  }
0x9d: {  	[tilespmem:$0x12FB0] =	vst v0  }
0x9e: {  	[tilespmem:$0x12FC0] =	vst v0  }
0x9f: {  	[tilespmem:$0x12FD0] =	vst v0  }
0xa0: {  	[tilespmem:$0x12FE0] =	vst v0  }
0xa1: {  	[tilespmem:$0x12FF0] =	vst v0  }
0xa2: {  	[spmem:s5] =	stream.linear.scatter [tilespmem:s26], [sflag:$0x9], $0x800, $0x38;
	[tilespmem:$0x14000] =	vst v63  }
0xa3: {  	_ =	swait.ge [sflag:s28], $0x800  }
0xa4: {  	[sflag:s28] =	ssyncset.done $0x0  }
0xa5: {  	[sflag:s28] =	ssyncadd.s32 $0xFFFFF800  }
0xa6: {  	[spmem:s16] =	stream.linear.scatter [tilespmem:s26], [sflag:$0x9], $0x800, $0x38;
	[tilespmem:$0x14000] =	vst v63  }
0xa7: {  	_ =	swait.ge [sflag:s28], $0x800  }
0xa8: {  	[sflag:s28] =	ssyncset.done $0x0  }
0xa9: {  	s18 =	simm.s32 $0x10000;
	s17 =	rddreg [dreg:$0x7];
	[sflag:s28] =	ssyncadd.s32 $0xFFFFF800  }
0xaa: {  	[tilespmem:s18], [sflag:$0x9] =	stream.linear.gather [hbm4b:s17+s4], $0x2780, $0x38;
	[tilespmem:$0x14000] =	vst v63  }
0xab: {  	_ =	swait.ge [sflag:s28], $0x2780  }
0xac: {  	[sflag:s28] =	ssyncset.done $0x0  }
0xad: {  	[sflag:s28] =	ssyncadd.s32 $0xFFFFD880  }
0xae: {  	[bflag:$0x0] =	sbarrier.arrive $0xFFFF  }
0xaf: {  	s19 =	rddreg [dreg:$0x6]  }
0xb0: {  	[tilespmem:s4], [sflag:$0x1] =	stream.linear.gather [hbm4b:s19+s4], $0x4000, $0x38;
	[tilespmem:$0x14000] =	vst v63  }
0xb1: {  	s21 =	rddreg [dreg:$0x8]  }
0xb2: {  	[tilespmem:s30], [sflag:$0x2] =	stream.linear.gather [hbm4b:s21+s4], $0x4000, $0x38;
	[tilespmem:$0x14000] =	vst v63  }
0xb3: {  	s25 =	rddreg [dreg:$0x9]  }
0xb4: {  	[tilespmem:s31], [sflag:$0x3] =	stream.linear.gather [hbm4b:s25+s4], $0x4000, $0x38;
	[tilespmem:$0x14000] =	vst v63  }
0xb5: {  	_ =	swait.ge [sflag:s1], $0x4000  }
0xb6: {  	[sflag:s1] =	ssyncset.done $0x0  }
0xb7: {  	[sflag:s1] =	ssyncadd.s32 $0xFFFFC000  }
0xb8: {  	[spmem:s2] =	stream.indirect.scatter.add.f32 [tilespmem:s4], [sflag:$0x5], $0x80, s18, s0, $0xb8;
	[tilespmem:$0x14000] =	vst v63  }
0xb9: {  	s17 =	rddreg [dreg:$0xa]  }
0xba: {  	[tilespmem:s8], [sflag:$0x4] =	stream.linear.gather [hbm4b:s17+s4], $0x4000, $0x38;
	[tilespmem:$0x14000] =	vst v63  }
0xbb: {  	_ =	swait.ge [sflag:s9], $0x4000  }
0xbc: {  	[sflag:s9] =	ssyncset.done $0x0  }
0xbd: {  	s18 =	simm.s32 $0x10080;
	[sflag:s9] =	ssyncadd.s32 $0xFFFFC000  }
0xbe: {  	[spmem:s3] =	stream.indirect.scatter.add.f32 [tilespmem:s30], [sflag:$0x6], $0x80, s18, s0, $0xb8;
	[tilespmem:$0x14000] =	vst v63  }
0xbf: {  	_ =	swait.ge [sflag:s10], $0x4000  }
0xc0: {  	[sflag:s10] =	ssyncset.done $0x0  }
0xc1: {  	s19 =	rddreg [dreg:$0xb];
	[sflag:s10] =	ssyncadd.s32 $0xFFFFC000  }
0xc2: {  	[tilespmem:s4], [sflag:$0x1] =	stream.linear.gather [hbm4b:s19+s4], $0x4000, $0x38;
	[tilespmem:$0x14000] =	vst v63  }
0xc3: {  	_ =	swait.ge [sflag:s11], $0x4000  }
0xc4: {  	[sflag:s11] =	ssyncset.done $0x0  }
0xc5: {  	s21 =	simm.s32 $0x10100;
	[sflag:s11] =	ssyncadd.s32 $0xFFFFC000  }
0xc6: {  	[spmem:s2] =	stream.indirect.scatter.add.f32 [tilespmem:s31], [sflag:$0x7], $0x80, s21, s0, $0xb8;
	[tilespmem:$0x14000] =	vst v63  }
0xc7: {  	_ =	swait.ge [sflag:s12], $0x4000  }
0xc8: {  	[sflag:s12] =	ssyncset.done $0x0  }
0xc9: {  	s25 =	rddreg [dreg:$0xc];
	[sflag:s12] =	ssyncadd.s32 $0xFFFFC000  }
0xca: {  	[tilespmem:s30], [sflag:$0x2] =	stream.linear.gather [hbm4b:s25+s4], $0x4000, $0x38;
	[tilespmem:$0x14000] =	vst v63  }
0xcb: {  	_ =	swait.ge [sflag:s13], $0x4000  }
0xcc: {  	[sflag:s13] =	ssyncset.done $0x0  }
0xcd: {  	s20 =	smov.u32 s16;
	s16 =	simm.s32 $0x10180;
	[sflag:s13] =	ssyncadd.s32 $0xFFFFC000  }
0xce: {  	[spmem:s3] =	stream.indirect.scatter.add.f32 [tilespmem:s8], [sflag:$0x8], $0x80, s16, s0, $0xb8;
	[tilespmem:$0x14000] =	vst v63  }
0xcf: {  	_ =	swait.ge [sflag:s14], $0x4000  }
0xd0: {  	[sflag:s14] =	ssyncset.done $0x0  }
0xd1: {  	s17 =	rddreg [dreg:$0xd];
	[sflag:s14] =	ssyncadd.s32 $0xFFFFC000  }
0xd2: {  	[tilespmem:s31], [sflag:$0x3] =	stream.linear.gather [hbm4b:s17+s4], $0x4000, $0x38;
	[tilespmem:$0x14000] =	vst v63  }
0xd3: {  	_ =	swait.ge [sflag:s1], $0x4000  }
0xd4: {  	[sflag:s1] =	ssyncset.done $0x0  }
0xd5: {  	s18 =	simm.s32 $0x10200;
	[sflag:s1] =	ssyncadd.s32 $0xFFFFC000  }
0xd6: {  	[spmem:s2] =	stream.indirect.scatter.add.f32 [tilespmem:s4], [sflag:$0x5], $0x80, s18, s0, $0xb8;
	[tilespmem:$0x14000] =	vst v63  }
0xd7: {  	_ =	swait.ge [sflag:s7], $0x4000  }
0xd8: {  	[sflag:s7] =	ssyncset.done $0x0  }
0xd9: {  	s6 =	smov.u32 s5;
	s5 =	rddreg [dreg:$0x13];
	[sflag:s7] =	ssyncadd.s32 $0xFFFFC000  }
0xda: {  	[tilespmem:s8], [sflag:$0x4] =	stream.linear.gather [hbm4b:s5+s4], $0x4000, $0x38;
	[tilespmem:$0x14000] =	vst v63  }
0xdb: {  	_ =	swait.ge [sflag:s9], $0x4000  }
0xdc: {  	[sflag:s9] =	ssyncset.done $0x0  }
0xdd: {  	s19 =	simm.s32 $0x10280;
	[sflag:s9] =	ssyncadd.s32 $0xFFFFC000  }
0xde: {  	[spmem:s3] =	stream.indirect.scatter.add.f32 [tilespmem:s30], [sflag:$0x6], $0x80, s19, s0, $0xb8;
	[tilespmem:$0x14000] =	vst v63  }
0xdf: {  	_ =	swait.ge [sflag:s10], $0x4000  }
0xe0: {  	[sflag:s10] =	ssyncset.done $0x0  }
0xe1: {  	[sflag:s10] =	ssyncadd.s32 $0xFFFFC000  }
0xe2: {  	[tilespmem:s4], [sflag:$0x1] =	stream.linear.gather [hbm4b:s23+s4], $0x4000, $0x38;
	[tilespmem:$0x14000] =	vst v63  }
0xe3: {  	_ =	swait.ge [sflag:s11], $0x4000  }
0xe4: {  	[sflag:s11] =	ssyncset.done $0x0  }
0xe5: {  	s21 =	simm.s32 $0x10300;
	[sflag:s11] =	ssyncadd.s32 $0xFFFFC000  }
0xe6: {  	[spmem:s2] =	stream.indirect.scatter.add.f32 [tilespmem:s31], [sflag:$0x7], $0x80, s21, s0, $0xb8;
	[tilespmem:$0x14000] =	vst v63  }
0xe7: {  	_ =	swait.ge [sflag:s12], $0x4000  }
0xe8: {  	[sflag:s12] =	ssyncset.done $0x0  }
0xe9: {  	[sflag:s12] =	ssyncadd.s32 $0xFFFFC000  }
0xea: {  	[tilespmem:s30], [sflag:$0x2] =	stream.linear.gather [hbm4b:s22+s4], $0x4000, $0x38;
	[tilespmem:$0x14000] =	vst v63  }
0xeb: {  	_ =	swait.ge [sflag:s13], $0x4000  }
0xec: {  	[sflag:s13] =	ssyncset.done $0x0  }
0xed: {  	s25 =	simm.s32 $0x10380;
	[sflag:s13] =	ssyncadd.s32 $0xFFFFC000  }
0xee: {  	[spmem:s3] =	stream.indirect.scatter.add.f32 [tilespmem:s8], [sflag:$0x8], $0x80, s25, s0, $0xb8;
	[tilespmem:$0x14000] =	vst v63  }
0xef: {  	s29 =	sadd.s32 $0x2000, s24;
	s17 =	simm.s32 $0x800;
	_ =	swait.ge [sflag:s14], $0x4000  }
0xf0: {  	s18 =	sadd.s32 $0x2000, s22;
	s16 =	sadd.s32 $0x2000, s5;
	[sflag:s14] =	ssyncset.done $0x0  }
0xf1: {  	s19 =	sadd.s32 $0x2000, s23;
	s21 =	smov.u32 s24;
	[sflag:s14] =	ssyncadd.s32 $0xFFFFC000  }
.LBB2_2:
0xf2: {  	[tilespmem:s31], [sflag:$0x3] =	stream.linear.gather [hbm4b:s21+s4], $0x4000, $0x38;
	[tilespmem:$0x14000] =	vst v63  }
0xf3: {  	s25 =	smov.u32 s17;
	s21 =	smov.u32 s29  }
0xf4: {  	p1 =	sne.s32 s17, $0x8000;
	s17 =	sadd.s32 $0x800, s17;
	_ =	swait.ge [sflag:s1], $0x4000  }
0xf5: {  	s25 =	sshra.s32 s25, $0x2;
	[sflag:s1] =	ssyncset.done $0x0  }
0xf6: {  	s5 =	sadd.s32 $0x10200, s25;
	[sflag:s1] =	ssyncadd.s32 $0xFFFFC000  }
0xf7: {  	[spmem:s2] =	stream.indirect.scatter.add.f32 [tilespmem:s4], [sflag:$0x5], $0x80, s5, s0, $0xb8;
	[tilespmem:$0x14000] =	vst v63  }
0xf8: {  	_ =	swait.ge [sflag:s7], $0x4000  }
0xf9: {  	[sflag:s7] =	ssyncset.done $0x0  }
0xfa: {  	[sflag:s7] =	ssyncadd.s32 $0xFFFFC000  }
0xfb: {  	[tilespmem:s8], [sflag:$0x4] =	stream.linear.gather [hbm4b:s16+s4], $0x4000, $0x38;
	[tilespmem:$0x14000] =	vst v63  }
0xfc: {  	_ =	swait.ge [sflag:s9], $0x4000  }
0xfd: {  	[sflag:s9] =	ssyncset.done $0x0  }
0xfe: {  	s5 =	sadd.s32 $0x10280, s25;
	[sflag:s9] =	ssyncadd.s32 $0xFFFFC000  }
0xff: {  	[spmem:s3] =	stream.indirect.scatter.add.f32 [tilespmem:s30], [sflag:$0x6], $0x80, s5, s0, $0xb8;
	[tilespmem:$0x14000] =	vst v63  }
0x100: {  	_ =	swait.ge [sflag:s10], $0x4000  }
0x101: {  	[sflag:s10] =	ssyncset.done $0x0  }
0x102: {  	[sflag:s10] =	ssyncadd.s32 $0xFFFFC000  }
0x103: {  	[tilespmem:s4], [sflag:$0x1] =	stream.linear.gather [hbm4b:s19+s4], $0x4000, $0x38;
	[tilespmem:$0x14000] =	vst v63  }
0x104: {  	_ =	swait.ge [sflag:s11], $0x4000  }
0x105: {  	[sflag:s11] =	ssyncset.done $0x0  }
0x106: {  	s5 =	sadd.s32 $0x10300, s25;
	[sflag:s11] =	ssyncadd.s32 $0xFFFFC000  }
0x107: {  	[spmem:s2] =	stream.indirect.scatter.add.f32 [tilespmem:s31], [sflag:$0x7], $0x80, s5, s0, $0xb8;
	[tilespmem:$0x14000] =	vst v63  }
0x108: {  	_ =	swait.ge [sflag:s12], $0x4000  }
0x109: {  	[sflag:s12] =	ssyncset.done $0x0  }
0x10a: {  	[sflag:s12] =	ssyncadd.s32 $0xFFFFC000  }
0x10b: {  	[tilespmem:s30], [sflag:$0x2] =	stream.linear.gather [hbm4b:s18+s4], $0x4000, $0x38;
	[tilespmem:$0x14000] =	vst v63  }
0x10c: {  	_ =	swait.ge [sflag:s13], $0x4000  }
0x10d: {  	[sflag:s13] =	ssyncset.done $0x0  }
.Ltmp0:
0x10e: {  	s5 =	sadd.s32 $0x10380, s25;
	[sflag:s13] =	ssyncadd.s32 $0xFFFFC000;
	(pc) =	sbr.rel @p1 .LBB2_2-.Ltmp0, $4  }
0x10f: {  	[spmem:s3] =	stream.indirect.scatter.add.f32 [tilespmem:s8], [sflag:$0x8], $0x80, s5, s0, $0xb8;
	[tilespmem:$0x14000] =	vst v63  }
0x110: {  	_ =	swait.ge [sflag:s14], $0x4000  }
0x111: {  	s19 =	sadd.s32 $0x2000, s19;
	s18 =	sadd.s32 $0x2000, s18;
	[sflag:s14] =	ssyncset.done $0x0  }
0x112: {  	s29 =	sadd.s32 $0x2000, s29;
	s16 =	sadd.s32 $0x2000, s16;
	[sflag:s14] =	ssyncadd.s32 $0xFFFFC000  }
0x113: {  	[tilespmem:s31], [sflag:$0x3] =	stream.linear.gather [hbm4b:s21+s4], $0x4000, $0x38;
	[tilespmem:$0x14000] =	vst v63  }
0x114: {  	_ =	swait.ge [sflag:s1], $0x4000  }
0x115: {  	[sflag:s1] =	ssyncset.done $0x0  }
0x116: {  	s5 =	simm.s32 $0x12400;
	[sflag:s1] =	ssyncadd.s32 $0xFFFFC000  }
0x117: {  	[spmem:s2] =	stream.indirect.scatter.add.f32 [tilespmem:s4], [sflag:$0x5], $0x80, s5, s0, $0xb8;
	[tilespmem:$0x14000] =	vst v63  }
0x118: {  	_ =	swait.ge [sflag:s7], $0x4000  }
0x119: {  	[sflag:s7] =	ssyncset.done $0x0  }
0x11a: {  	s19 =	rddreg [dreg:$0x12];
	[sflag:s7] =	ssyncadd.s32 $0xFFFFC000  }
0x11b: {  	[tilespmem:s8], [sflag:$0x4] =	stream.linear.gather [hbm4b:s19+s4], $0x4000, $0x38;
	[tilespmem:$0x14000] =	vst v63  }
0x11c: {  	_ =	swait.ge [sflag:s9], $0x4000  }
0x11d: {  	[sflag:s9] =	ssyncset.done $0x0  }
0x11e: {  	s21 =	simm.s32 $0x12480;
	[sflag:s9] =	ssyncadd.s32 $0xFFFFC000  }
0x11f: {  	[spmem:s3] =	stream.indirect.scatter.add.f32 [tilespmem:s30], [sflag:$0x6], $0x80, s21, s0, $0xb8;
	[tilespmem:$0x14000] =	vst v63  }
0x120: {  	_ =	swait.ge [sflag:s10], $0x4000  }
0x121: {  	[sflag:s10] =	ssyncset.done $0x0  }
0x122: {  	s25 =	rddreg [dreg:$0x14];
	[sflag:s10] =	ssyncadd.s32 $0xFFFFC000  }
0x123: {  	[tilespmem:s4], [sflag:$0x1] =	stream.linear.gather [hbm4b:s25+s4], $0x4000, $0x38;
	[tilespmem:$0x14000] =	vst v63  }
0x124: {  	_ =	swait.ge [sflag:s11], $0x4000  }
0x125: {  	[sflag:s11] =	ssyncset.done $0x0  }
0x126: {  	s29 =	simm.s32 $0x12500;
	[sflag:s11] =	ssyncadd.s32 $0xFFFFC000  }
0x127: {  	[spmem:s2] =	stream.indirect.scatter.add.f32 [tilespmem:s31], [sflag:$0x7], $0x80, s29, s0, $0xb8;
	[tilespmem:$0x14000] =	vst v63  }
0x128: {  	_ =	swait.ge [sflag:s12], $0x4000  }
0x129: {  	[sflag:s12] =	ssyncset.done $0x0  }
0x12a: {  	s16 =	rddreg [dreg:$0x15];
	[sflag:s12] =	ssyncadd.s32 $0xFFFFC000  }
0x12b: {  	[tilespmem:s30], [sflag:$0x2] =	stream.linear.gather [hbm4b:s16+s4], $0x4000, $0x38;
	[tilespmem:$0x14000] =	vst v63  }
0x12c: {  	_ =	swait.ge [sflag:s13], $0x4000  }
0x12d: {  	[sflag:s13] =	ssyncset.done $0x0  }
0x12e: {  	s17 =	simm.s32 $0x12580;
	[sflag:s13] =	ssyncadd.s32 $0xFFFFC000  }
0x12f: {  	[spmem:s3] =	stream.indirect.scatter.add.f32 [tilespmem:s8], [sflag:$0x8], $0x80, s17, s0, $0xb8;
	[tilespmem:$0x14000] =	vst v63  }
0x130: {  	_ =	swait.ge [sflag:s14], $0x4000  }
0x131: {  	[sflag:s14] =	ssyncset.done $0x0  }
0x132: {  	[sflag:s14] =	ssyncadd.s32 $0xFFFFC000  }
0x133: {  	_ =	swait.ge [sflag:s1], $0x4000  }
0x134: {  	[sflag:s1] =	ssyncset.done $0x0  }
0x135: {  	s18 =	simm.s32 $0x12600;
	[sflag:s1] =	ssyncadd.s32 $0xFFFFC000  }
0x136: {  	[spmem:s2] =	stream.indirect.scatter.add.f32 [tilespmem:s4], [sflag:$0x5], $0x80, s18, s0, $0xb8;
	[tilespmem:$0x14000] =	vst v63  }
0x137: {  	_ =	swait.ge [sflag:s7], $0x4000  }
0x138: {  	[sflag:s7] =	ssyncset.done $0x0  }
0x139: {  	[sflag:s7] =	ssyncadd.s32 $0xFFFFC000  }
0x13a: {  	_ =	swait.ge [sflag:s9], $0x4000  }
0x13b: {  	[sflag:s9] =	ssyncset.done $0x0  }
0x13c: {  	s19 =	simm.s32 $0x12680;
	[sflag:s9] =	ssyncadd.s32 $0xFFFFC000  }
0x13d: {  	[spmem:s3] =	stream.indirect.scatter.add.f32 [tilespmem:s30], [sflag:$0x6], $0x80, s19, s0, $0xb8;
	[tilespmem:$0x14000] =	vst v63  }
0x13e: {  	_ =	swait.ge [sflag:s10], $0x4000  }
0x13f: {  	[sflag:s10] =	ssyncset.done $0x0  }
0x140: {  	[sflag:s10] =	ssyncadd.s32 $0xFFFFC000  }
0x141: {  	_ =	swait.ge [sflag:s12], $0x4000  }
0x142: {  	[sflag:s12] =	ssyncset.done $0x0  }
0x143: {  	s5 =	simm.s32 @!p0 $0x0;
	s16 =	rddreg [dreg:$0xe];
	[sflag:s12] =	ssyncadd.s32 $0xFFFFC000  }
0x144: {  	[tilespmem:s5], [sflag:$0x9] =	stream.linear.gather @!p0 [hbm4b:s16+s5], $0x4000, $0x38;
	[tilespmem:$0x14000] =	vst v63  }
0x145: {  	s16 =	simm.s32 @!p0 $0x9  }
0x146: {  	_ =	swait.ge @!p0 [sflag:s16], $0x4000  }
0x147: {  	[sflag:s16] =	ssyncset.done @!p0 $0x0  }
0x148: {  	s17 =	simm.s32 @!p0 $0x80;
	s18 =	simm.s32 @!p0 $0x12700;
	[sflag:s16] =	ssyncadd.s32 @!p0 $0xFFFFC000  }
0x149: {  	[spmem:s2] =	stream.indirect.scatter.add.f32 @!p0 [tilespmem:s5], [sflag:$0x9], $0x80, s18, s17, $0xb8;
	[tilespmem:$0x14000] =	vst v63  }
0x14a: {  	_ =	swait.ge @!p0 [sflag:s16], $0x4000  }
0x14b: {  	[sflag:s16] =	ssyncset.done @!p0 $0x0  }
0x14c: {  	[sflag:s16] =	ssyncadd.s32 @!p0 $0xFFFFC000  }
0x14d: {  	[bflag:$0x0] =	sbarrier.arrive $0xFFFF  }
0x14e: {  	[tilespmem:s26], [sflag:$0x9] =	stream.linear.gather [spmem:s6], $0x800, $0x38;
	[tilespmem:$0x14000] =	vst v63  }
0x14f: {  	_ =	swait.ge [sflag:s28], $0x800  }
0x150: {  	[sflag:s28] =	ssyncset.done $0x0  }
0x151: {  	s21 =	rddreg [dreg:$0xf];
	[sflag:s28] =	ssyncadd.s32 $0xFFFFF800  }
0x152: {  	[hbm4b:s21+s4] =	stream.linear.scatter [tilespmem:s26], [sflag:$0x9], $0x800, $0x38;
	[tilespmem:$0x14000] =	vst v63  }
0x153: {  	_ =	swait.ge [sflag:s28], $0x800  }
0x154: {  	[sflag:s28] =	ssyncset.done $0x0  }
0x155: {  	[sflag:s28] =	ssyncadd.s32 $0xFFFFF800  }
0x156: {  	[tilespmem:s26], [sflag:$0x9] =	stream.linear.gather [spmem:s20], $0x800, $0x38;
	[tilespmem:$0x14000] =	vst v63  }
0x157: {  	_ =	swait.ge [sflag:s28], $0x800  }
0x158: {  	[sflag:s28] =	ssyncset.done $0x0  }
0x159: {  	s25 =	rddreg [dreg:$0x10];
	[sflag:s28] =	ssyncadd.s32 $0xFFFFF800  }
0x15a: {  	[hbm4b:s25+s4] =	stream.linear.scatter [tilespmem:s26], [sflag:$0x9], $0x800, $0x38;
	[tilespmem:$0x14000] =	vst v63  }
0x15b: {  	_ =	swait.ge [sflag:s28], $0x800  }
0x15c: {  	s15 =	sadd.s32 $0x1, s15;
	s29 =	rddreg [dreg:$0x11]  }
0x15d: {  	p1 =	sne.s32 s15, s29  }
.Ltmp1:
0x15e: {  	_ = 	snop;
	(pc) =	sbr.rel @p1 .LBB2_1-.Ltmp1, $3  }
0x15f: {  	_ =	sdelay $0x1  }
0x160: {  	[sflag:s28] =	ssyncset.done $0x0  }
0x161: {  	s5 =	smov.u32 s6;
	s16 =	smov.u32 s20;
	[sflag:s28] =	ssyncadd.s32 $0xFFFFF800  }
0x162: {  	_ =	sfence.sel $0x180000  }
0x163: {  	[bflag:$0x0] =	sbarrier.arrive $0xFFFF  }
0x164: {  	_ =	strace $0x90000047  }
0x165: {  	s0 =	stileid.u32;
	[bflag:$0x2] =	sbarrier.arrive $0xFFFF  }
0x166: {  	p0 =	sne.s32 s0, $0x0;
	s0 =	rddreg [dreg:$0x5]  }
0x167: {  	s0 =	sadd.s32 @!p0 $0x100000, s0  }
0x168: {  	[sflag:s0] =	ssyncadd.tile.s32 @!p0 $0x1;
	_ =	shalt  }
.Lfunc_end2:
_tile_overlayer_lowered:
.L_overlay_start_2:
0x169: {  	(tag) =	ssettag $0x2  }
0x16a: {  	s0 =	rddreg [dreg:$0x0];
	s2 =	stileid.u32  }
0x16b: {  	s1 =	rddreg [dreg:$0x1];
	p0 =	sne.s32 s2, $0x0  }
0x16c: {  	s3 =	rddreg [dreg:$0x2];
	[bflag:$0x3] =	sbarrier.arrive $0xFFFF;
	s2 =	simm.s32 @!p0 $0x1C09  }
0x16d: {  	[timem:s3], [sflag:s2] =	dma.local @!p0 [hbm:s0], s1  }
0x16e: {  	s0 =	simm.s32 @!p0 $0x9  }
0x16f: {  	_ =	swait.ge @!p0 [sflag:s0], s1  }
0x170: {  	s1 =	ssub.s32 @!p0 $0x0, s1;
	[sflag:s0] =	ssyncset.done @!p0 $0x0  }
0x171: {  	[sflag:s0] =	ssyncadd.s32 @!p0 s1  }
0x172: {  	[bflag:$0x3] =	sbarrier.arrive $0xFFFF  }
0x173: {  	_ =	shalt  }

</sc_bundles>
